<compile_context>
chip_gen: v7x
topology: tpu7x:2x2x1
jax: 0.10.2.dev20260603
libtpu: 0.0.44.dev20260713+nightly
codegen_flags: <defaults>
</compile_context>

<pallas_src>
import functools

import jax
import jax.numpy as jnp
from jax import lax
from jax.experimental import pallas as pl
from jax.experimental.pallas import tpu as pltpu
from jax.experimental.pallas import tpu_sc as plsc

_NUM_NUMERICAL = 2032
_NEG_SLOPE = 0.01
_SBLK = 512


def _logits_kernel(num_numerical, pe_ref, codec_ref, te_ref, mask_ref,
                   w1_ref, b1_ref, w2_ref, b2_ref, lg_ref):
    step = pl.program_id(0)
    sblk, c = pe_ref.shape
    bsz = codec_ref.shape[0]

    bf = jnp.bfloat16
    dn = (((1,), (0,)), ((), ()))
    pe_part = jax.lax.dot_general(pe_ref[...].astype(bf),
                                  w1_ref[c:2 * c, :].astype(bf), dn,
                                  preferred_element_type=jnp.float32)
    codec_part = jax.lax.dot_general(codec_ref[...].astype(bf),
                                     w1_ref[0:c, :].astype(bf), dn,
                                     preferred_element_type=jnp.float32)
    te_part = jax.lax.dot_general(te_ref[...].astype(bf),
                                  w1_ref[2 * c:3 * c, :].astype(bf), dn,
                                  preferred_element_type=jnp.float32)
    w_mask = w1_ref[3 * c, :].astype(bf).astype(jnp.float32)

    pos = step * sblk + jax.lax.broadcasted_iota(jnp.int32, (sblk, 1), 0)
    is_cat = (pos >= num_numerical).astype(jnp.float32)
    te_sel = te_part[0][None, :] + is_cat * (te_part[1] - te_part[0])[None, :]
    base = pe_part + te_sel + b1_ref[...]

    for b in range(bsz):
        mask_b = mask_ref[b, :]
        pre = base + codec_part[b][None, :] + mask_b[:, None] * w_mask[None, :]
        h = jnp.maximum(pre, _NEG_SLOPE * pre)
        logits = jax.lax.dot_general(w2_ref[...].astype(bf), h.astype(bf),
                                     (((0,), (1,)), ((), ())),
                                     preferred_element_type=jnp.float32)
        lg_ref[b, :, :] = (logits + b2_ref[...]) * mask_b[None, :]


def _make_sc_gate(bsz, s, e, tokens_per_w, nc):
    mesh = plsc.VectorSubcoreMesh(core_axis_name="c", subcore_axis_name="s")
    imin = jnp.int32(-2**31)
    groups = tokens_per_w // 16

    @functools.partial(
        pl.kernel, mesh=mesh,
        out_type=(
            jax.ShapeDtypeStruct((bsz, s), jnp.float32),
            jax.ShapeDtypeStruct((bsz, s), jnp.float32),
            jax.ShapeDtypeStruct((bsz, s), jnp.int32),
            jax.ShapeDtypeStruct((bsz, s), jnp.int32),
        ),
        scratch_types=[
            pltpu.VMEM((e, tokens_per_w), jnp.float32),
            pltpu.VMEM((tokens_per_w,), jnp.float32),
            pltpu.VMEM((tokens_per_w,), jnp.float32),
            pltpu.VMEM((tokens_per_w,), jnp.int32),
            pltpu.VMEM((tokens_per_w,), jnp.int32),
        ],
    )
    def sc_gate(lg_hbm, g1_hbm, g2_hbm, i1_hbm, i2_hbm,
                lg_v, g1_v, g2_v, i1_v, i2_v):
        wid = lax.axis_index("s") * nc + lax.axis_index("c")
        base = wid * tokens_per_w
        b = base // s
        s0 = base % s
        pltpu.sync_copy(lg_hbm.at[b, :, pl.ds(s0, tokens_per_w)], lg_v)

        def body(g, _):
            sl = pl.ds(g * 16, 16)
            k1 = jnp.full((16,), imin, jnp.int32)
            k2 = jnp.full((16,), imin, jnp.int32)
            i1 = jnp.zeros((16,), jnp.int32)
            i2 = jnp.zeros((16,), jnp.int32)
            for exp in range(e):
                row = lg_v[exp, sl]
                bits = jax.lax.bitcast_convert_type(row, jnp.int32)
                keys = jnp.where(bits < 0, (~bits) ^ imin, bits)
                ev = jnp.full((16,), exp, jnp.int32)
                gt1 = keys > k1
                gt2 = keys > k2
                i2 = jnp.where(gt1, i1, jnp.where(gt2, ev, i2))
                k2 = jnp.where(gt1, k1, jnp.where(gt2, keys, k2))
                i1 = jnp.where(gt1, ev, i1)
                k1 = jnp.where(gt1, keys, k1)
            m1 = jax.lax.bitcast_convert_type(jnp.where(k1 < 0, (~k1) ^ imin, k1), jnp.float32)
            m2 = jax.lax.bitcast_convert_type(jnp.where(k2 < 0, (~k2) ^ imin, k2), jnp.float32)
            ex = jnp.exp(m2 - m1)
            denom = 1.0 + ex
            g1_v[sl] = 1.0 / denom
            g2_v[sl] = ex / denom
            i1_v[sl] = i1
            i2_v[sl] = i2
            return 0

        lax.fori_loop(0, groups, body, 0)
        pltpu.sync_copy(g1_v, g1_hbm.at[b, pl.ds(s0, tokens_per_w)])
        pltpu.sync_copy(g2_v, g2_hbm.at[b, pl.ds(s0, tokens_per_w)])
        pltpu.sync_copy(i1_v, i1_hbm.at[b, pl.ds(s0, tokens_per_w)])
        pltpu.sync_copy(i2_v, i2_hbm.at[b, pl.ds(s0, tokens_per_w)])

    return sc_gate


def kernel(codec, mask_pos, pos_emb, type_emb, W1, b1, W2, b2):
    bsz, s = mask_pos.shape
    c = codec.shape[1]
    h = W1.shape[1]
    e = W2.shape[1]
    num_numerical = _NUM_NUMERICAL

    mask_f = mask_pos.astype(jnp.float32)
    b1_2d = b1.reshape(1, h)
    b2_2d = b2.reshape(e, 1)

    grid = s // _SBLK
    lg3 = pl.pallas_call(
        functools.partial(_logits_kernel, num_numerical),
        grid=(grid,),
        in_specs=[
            pl.BlockSpec((_SBLK, c), lambda i: (i, 0)),
            pl.BlockSpec((bsz, c), lambda i: (0, 0)),
            pl.BlockSpec((2, c), lambda i: (0, 0)),
            pl.BlockSpec((bsz, _SBLK), lambda i: (0, i)),
            pl.BlockSpec(W1.shape, lambda i: (0, 0)),
            pl.BlockSpec((1, h), lambda i: (0, 0)),
            pl.BlockSpec((h, e), lambda i: (0, 0)),
            pl.BlockSpec((e, 1), lambda i: (0, 0)),
        ],
        out_specs=pl.BlockSpec((bsz, e, _SBLK), lambda i: (0, 0, i)),
        out_shape=jax.ShapeDtypeStruct((bsz, e, s), jnp.float32),
    )(pos_emb, codec, type_emb, mask_f, W1, b1_2d, W2, b2_2d)

    info = plsc.get_sparse_core_info()
    nw = info.num_cores * info.num_subcores
    tokens_per_w = (bsz * s) // nw
    g1, g2, i1, i2 = _make_sc_gate(bsz, s, e, tokens_per_w,
                                   info.num_cores)(lg3)

    gates = jnp.stack([g1, g2], axis=-1)
    experts = jnp.stack([i1, i2], axis=-1)
    return gates, experts, mask_pos

# --- scband reference (transcript-rebuilt; emitter-appended) ---
"""Pipeline reference for scband-b-batch-mo-edecoder-44547400794674 (READ-ONLY COPY).

The authoritative reference and input builder live on the scoring server;
editing this copy changes nothing except your own understanding.
"""

import jax, jax.numpy as jnp
import numpy as np

B = 4
S = 2048
CODEC = 1024
E = 16
TOPK = 2
NUM_NUMERICAL = 2032
HID = 256


def setup_inputs(seed: int = 0) -> dict:
    key = jax.random.key(seed)
    ks = jax.random.split(key, 8)
    codec = jax.random.normal(ks[0], (B, CODEC), dtype=jnp.float32)
    mask_pos = jax.random.randint(ks[1], (B, S), 0, 2) > 0
    pos_emb = jax.random.normal(ks[2], (S, CODEC), dtype=jnp.float32) * 0.02
    type_emb = jax.random.normal(ks[3], (2, CODEC), dtype=jnp.float32) * 0.02
    gi = 3 * CODEC + 1
    W1 = jax.random.normal(ks[4], (gi, HID), dtype=jnp.float32) * (1.0 / np.sqrt(gi))
    b1 = jnp.zeros((HID,), dtype=jnp.float32)
    W2 = jax.random.normal(ks[5], (HID, E), dtype=jnp.float32) * (1.0 / np.sqrt(HID))
    b2 = jnp.zeros((E,), dtype=jnp.float32)
    return {"codec": codec, "mask_pos": mask_pos, "pos_emb": pos_emb, "type_emb": type_emb, "W1": W1, "b1": b1, "W2": W2, "b2": b2}


def reference(codec, mask_pos, pos_emb, type_emb, W1, b1, W2, b2):
    positions = jnp.arange(S)
    is_categorical = (positions >= NUM_NUMERICAL).astype(jnp.int32)
    pe = jnp.take(pos_emb, positions, axis=0)
    te = jnp.take(type_emb, is_categorical, axis=0)
    mask_f = mask_pos.astype(jnp.float32)[..., None]
    gate_input = jnp.concatenate([
        jnp.broadcast_to(codec[:, None, :], (B, S, CODEC)),
        jnp.broadcast_to(pe[None, :, :], (B, S, CODEC)),
        jnp.broadcast_to(te[None, :, :], (B, S, CODEC)),
        mask_f,
    ], axis=-1)
    h = jax.nn.leaky_relu(gate_input @ W1 + b1, negative_slope=0.01)
    gate_logits = h @ W2 + b2
    gate_logits = gate_logits * mask_f
    topk_gates, topk_experts = jax.lax.top_k(gate_logits, TOPK)
    gates = jax.nn.softmax(topk_gates, axis=-1)
    return gates, topk_experts, mask_pos

if __name__ == "__main__":
    import jax
    _d = setup_inputs()
    print(jax.jit(kernel)(*tuple(_d.values())))

</pallas_src>

<mosaic_0001>
#map = affine_map<(d0, d1) -> (0, 0, 0)>
#map1 = affine_map<(d0, d1) -> (0)>
#map2 = affine_map<(d0, d1) -> (0, 0)>
module attributes {stable_mosaic.version = 14 : i64} {
  func.func @_rewritten_body(%arg0: i32, %arg1: i32, %arg2: memref<4x16x2048xf32, #tpu.memory_space<hbm>>, %arg3: memref<1xi32, #tpu.memory_space<hbm>>, %arg4: memref<4x2048xf32, #tpu.memory_space<hbm>>, %arg5: memref<4x2048xf32, #tpu.memory_space<hbm>>, %arg6: memref<4x2048xi32, #tpu.memory_space<hbm>>, %arg7: memref<4x2048xi32, #tpu.memory_space<hbm>>, %arg8: memref<16x256xf32, #tpu.memory_space<vmem>>, %arg9: memref<256xf32, #tpu.memory_space<vmem>>, %arg10: memref<256xf32, #tpu.memory_space<vmem>>, %arg11: memref<256xi32, #tpu.memory_space<vmem>>, %arg12: memref<256xi32, #tpu.memory_space<vmem>>) attributes {dimension_semantics = [#tpu.dimension_semantics<core_parallel>, #tpu.dimension_semantics<subcore_parallel>], iteration_bounds = array<i64: 2, 16>, scalar_prefetch = 0 : i64, scratch_operands = 5 : i64, tpu.core_type = #tpu.core_type<sc_vector_subcore>, window_params = [{transform_indices = #map}, {transform_indices = #map1}, {transform_indices = #map2}, {transform_indices = #map2}, {transform_indices = #map2}, {transform_indices = #map2}]} {
    %empty_ref3A = memref.alloca() : memref<16xi32, #tpu.memory_space<vmem>>
    "tpu.region"() ({
      %run_scoped3A = tpu.sem_alloc : memref<!tpu.dma_semaphore, #tpu.memory_space<semaphore_mem>>
      %dma_start3A = arith.constant 0 : i32
      %dma_start3A_41 = tpu.memref_slice %empty_ref3A[%dma_start3A] : memref<16xi32, #tpu.memory_space<vmem>> -> memref<1xi32, #tpu.memory_space<vmem>>
      %dma_start3A_42 = arith.constant 0 : i32
      %dma_start3A_43 = tpu.memref_slice %empty_ref3A[%dma_start3A_42] : memref<16xi32, #tpu.memory_space<vmem>> -> memref<1xi32, #tpu.memory_space<vmem>>
      tpu.enqueue_dma source(%arg3 : memref<1xi32, #tpu.memory_space<hbm>>) target(%dma_start3A_43 : memref<1xi32, #tpu.memory_space<vmem>>) target_semaphore(%run_scoped3A : memref<!tpu.dma_semaphore, #tpu.memory_space<semaphore_mem>>)
      %dma_wait3A = arith.constant 0 : i32
      %dma_wait3A_44 = tpu.memref_slice %empty_ref3A[%dma_wait3A] : memref<16xi32, #tpu.memory_space<vmem>> -> memref<1xi32, #tpu.memory_space<vmem>>
      %dma_wait3A_45 = arith.constant 0 : i32
      %dma_wait3A_46 = tpu.memref_slice %empty_ref3A[%dma_wait3A_45] : memref<16xi32, #tpu.memory_space<vmem>> -> memref<1xi32, #tpu.memory_space<vmem>>
      tpu.wait_dma2 semaphore(%run_scoped3A : memref<!tpu.dma_semaphore, #tpu.memory_space<semaphore_mem>>) src(%arg3 : memref<1xi32, #tpu.memory_space<hbm>>) dst(%dma_wait3A_46 : memref<1xi32, #tpu.memory_space<vmem>>)
      tpu.yield
    }) : () -> ()
    %get3A = arith.constant 0 : index
    %get3A_0 = tpu.vector_load %empty_ref3A[%get3A] {strides = array<i32>} : memref<16xi32, #tpu.memory_space<vmem>>, vector<16xi32>,
    %get3A_1 = vector.shape_cast %get3A_0 : vector<16xi32> to vector<16xi32>
    %slice3A = vector.extract_strided_slice %get3A_1 {offsets = [0], sizes = [1], strides = [1]} : vector<16xi32> to vector<1xi32>
    %squeeze3A = vector.extract %slice3A[0] : i32 from vector<1xi32>
    %mul3A = arith.constant 2 : i32
    %mul3A_2 = arith.muli %arg1, %mul3A : i32
    %add3A = arith.addi %mul3A_2, %arg0 : i32
    %mul3A_3 = arith.constant 256 : i32
    %mul3A_4 = arith.muli %add3A, %mul3A_3 : i32
    %jit3A = arith.constant 2048 : i32
    %div3A = arith.divsi %mul3A_4, %jit3A : i32
    %sign3A = arith.constant 0 : i32
    %sign3A_5 = arith.cmpi sgt, %mul3A_4, %sign3A : i32
    %sign3A_6 = arith.extui %sign3A_5 : i1 to i32
    %sign3A_7 = arith.constant 0 : i32
    %sign3A_8 = arith.cmpi slt, %mul3A_4, %sign3A_7 : i32
    %sign3A_9 = arith.extui %sign3A_8 : i1 to i32
    %sign3A_10 = arith.subi %sign3A_6, %sign3A_9 : i32
    %sign3A_11 = arith.constant 0 : i32
    %sign3A_12 = arith.cmpi sgt, %jit3A, %sign3A_11 : i32
    %sign3A_13 = arith.extui %sign3A_12 : i1 to i32
    %sign3A_14 = arith.constant 0 : i32
    %sign3A_15 = arith.cmpi slt, %jit3A, %sign3A_14 : i32
    %sign3A_16 = arith.extui %sign3A_15 : i1 to i32
    %sign3A_17 = arith.subi %sign3A_13, %sign3A_16 : i32
    %ne3A = arith.cmpi ne, %sign3A_10, %sign3A_17 : i32
    %rem3A = arith.remsi %mul3A_4, %jit3A : i32
    %ne3A_18 = arith.constant 0 : i32
    %ne3A_19 = arith.cmpi ne, %rem3A, %ne3A_18 : i32
    %and3A = arith.andi %ne3A, %ne3A_19 : i1
    %sub3A = arith.constant 1 : i32
    %sub3A_20 = arith.subi %div3A, %sub3A : i32
    %select_n3A = arith.select %and3A, %sub3A_20, %div3A : i32
    %jit3A_21 = arith.constant 2048 : i32
    %eq3A = arith.constant 0 : i32
    %eq3A_22 = arith.cmpi eq, %jit3A_21, %eq3A : i32
    %jit3A_23 = arith.constant 1 : i32
    %select_n3A_24 = arith.select %eq3A_22, %jit3A_23, %jit3A_21 : i32
    %rem3A_25 = arith.remsi %mul3A_4, %select_n3A_24 : i32
    %ne3A_26 = arith.constant 0 : i32
    %ne3A_27 = arith.cmpi ne, %rem3A_25, %ne3A_26 : i32
    %lt3A = arith.constant 0 : i32
    %lt3A_28 = arith.cmpi slt, %rem3A_25, %lt3A : i32
    %lt3A_29 = arith.constant 0 : i32
    %lt3A_30 = arith.cmpi slt, %select_n3A_24, %lt3A_29 : i32
    %ne3A_31 = arith.xori %lt3A_28, %lt3A_30 : i1
    %and3A_32 = arith.andi %ne3A_31, %ne3A_27 : i1
    %add3A_33 = arith.addi %rem3A_25, %select_n3A_24 : i32
    %select_n3A_34 = arith.select %and3A_32, %add3A_33, %rem3A_25 : i32
    "tpu.region"() ({
      %run_scoped3A = tpu.sem_alloc : memref<!tpu.dma_semaphore, #tpu.memory_space<semaphore_mem>>
      %dma_start3A = arith.constant 0 : i32
      %dma_start3A_41 = tpu.memref_slice %arg2[%select_n3A, %dma_start3A, %select_n3A_34] : memref<4x16x2048xf32, #tpu.memory_space<hbm>> -> memref<1x16x256xf32, #tpu.memory_space<hbm>>
      %dma_start3A_42 = tpu.memref_squeeze %dma_start3A_41 : memref<1x16x256xf32, #tpu.memory_space<hbm>> -> memref<16x256xf32, #tpu.memory_space<hbm>>
      %dma_start3A_43 = arith.constant 0 : i32
      %dma_start3A_44 = tpu.memref_slice %arg2[%select_n3A, %dma_start3A_43, %select_n3A_34] : memref<4x16x2048xf32, #tpu.memory_space<hbm>> -> memref<1x16x256xf32, #tpu.memory_space<hbm>>
      %dma_start3A_45 = tpu.memref_squeeze %dma_start3A_44 : memref<1x16x256xf32, #tpu.memory_space<hbm>> -> memref<16x256xf32, #tpu.memory_space<hbm>>
      tpu.enqueue_dma source(%dma_start3A_45 : memref<16x256xf32, #tpu.memory_space<hbm>>) target(%arg8 : memref<16x256xf32, #tpu.memory_space<vmem>>) target_semaphore(%run_scoped3A : memref<!tpu.dma_semaphore, #tpu.memory_space<semaphore_mem>>)
      %dma_wait3A = arith.constant 0 : i32
      %dma_wait3A_46 = tpu.memref_slice %arg2[%select_n3A, %dma_wait3A, %select_n3A_34] : memref<4x16x2048xf32, #tpu.memory_space<hbm>> -> memref<1x16x256xf32, #tpu.memory_space<hbm>>
      %dma_wait3A_47 = tpu.memref_squeeze %dma_wait3A_46 : memref<1x16x256xf32, #tpu.memory_space<hbm>> -> memref<16x256xf32, #tpu.memory_space<hbm>>
      %dma_wait3A_48 = arith.constant 0 : i32
      %dma_wait3A_49 = tpu.memref_slice %arg2[%select_n3A, %dma_wait3A_48, %select_n3A_34] : memref<4x16x2048xf32, #tpu.memory_space<hbm>> -> memref<1x16x256xf32, #tpu.memory_space<hbm>>
      %dma_wait3A_50 = tpu.memref_squeeze %dma_wait3A_49 : memref<1x16x256xf32, #tpu.memory_space<hbm>> -> memref<16x256xf32, #tpu.memory_space<hbm>>
      tpu.wait_dma2 semaphore(%run_scoped3A : memref<!tpu.dma_semaphore, #tpu.memory_space<semaphore_mem>>) src(%dma_wait3A_50 : memref<16x256xf32, #tpu.memory_space<hbm>>) dst(%arg8 : memref<16x256xf32, #tpu.memory_space<vmem>>)
      tpu.yield
    }) : () -> ()
    %scan3A = arith.constant 0 : i32
    %scan3A_35 = arith.constant 0 : i32
    %scan3A_36 = arith.constant 16 : i32
    %scan3A_37 = arith.addi %scan3A_35, %scan3A_36 : i32
    %scan3A_38 = arith.constant 1 : i32
    %scan3A_39 = scf.for %scan3A_41 = %scan3A_35 to %scan3A_37 step %scan3A_38 iter_args(%scan3A_42 = %scan3A) -> (i32)  : i32 {
      %mul3A_43 = arith.constant 16 : i32
      %mul3A_44 = arith.muli %scan3A_41, %mul3A_43 : i32
      %broadcast_in_dim3A = vector.broadcast %squeeze3A : i32 to vector<16xi32>
      %broadcast_in_dim3A_45 = vector.broadcast %squeeze3A : i32 to vector<16xi32>
      %broadcast_in_dim3A_46 = arith.constant 0 : i32
      %broadcast_in_dim3A_47 = vector.broadcast %broadcast_in_dim3A_46 : i32 to vector<16xi32>
      %broadcast_in_dim3A_48 = arith.constant 0 : i32
      %broadcast_in_dim3A_49 = vector.broadcast %broadcast_in_dim3A_48 : i32 to vector<16xi32>
      %get3A_50 = arith.constant 0 : i32
      %get3A_51 = arith.index_cast %get3A_50 : i32 to index
      %get3A_52 = arith.index_cast %mul3A_44 : i32 to index
      %get3A_53 = tpu.vector_load %arg8[%get3A_51, %get3A_52] {strides = array<i32>} : memref<16x256xf32, #tpu.memory_space<vmem>>, vector<1x16xf32>,
      %get3A_54 = vector.shape_cast %get3A_53 : vector<1x16xf32> to vector<16xf32>
      %bitcast_convert_type3A = tpu.bitcast %get3A_54 : vector<16xf32> -> vector<16xi32>
      %lt3A_55 = arith.constant 0 : i32
      %lt3A_56 = vector.broadcast %lt3A_55 : i32 to vector<16xi32>
      %lt3A_57 = arith.cmpi slt, %bitcast_convert_type3A, %lt3A_56 : vector<16xi32>
      %not3A = arith.constant dense<-1> : vector<16xi32>
      %not3A_58 = arith.xori %bitcast_convert_type3A, %not3A : vector<16xi32>
      %xor3A = vector.broadcast %squeeze3A : i32 to vector<16xi32>
      %xor3A_59 = arith.xori %not3A_58, %xor3A : vector<16xi32>
      %select_n3A_60 = arith.select %lt3A_57, %xor3A_59, %bitcast_convert_type3A : vector<16xi1>, vector<16xi32>
      %broadcast_in_dim3A_61 = arith.constant 0 : i32
      %broadcast_in_dim3A_62 = vector.broadcast %broadcast_in_dim3A_61 : i32 to vector<16xi32>
      %gt3A = arith.cmpi sgt, %select_n3A_60, %broadcast_in_dim3A : vector<16xi32>
      %gt3A_63 = arith.cmpi sgt, %select_n3A_60, %broadcast_in_dim3A_45 : vector<16xi32>
      %select_n3A_64 = arith.select %gt3A_63, %broadcast_in_dim3A_62, %broadcast_in_dim3A_49 : vector<16xi1>, vector<16xi32>
      %select_n3A_65 = arith.select %gt3A, %broadcast_in_dim3A_47, %select_n3A_64 : vector<16xi1>, vector<16xi32>
      %select_n3A_66 = arith.select %gt3A_63, %select_n3A_60, %broadcast_in_dim3A_45 : vector<16xi1>, vector<16xi32>
      %select_n3A_67 = arith.select %gt3A, %broadcast_in_dim3A, %select_n3A_66 : vector<16xi1>, vector<16xi32>
      %select_n3A_68 = arith.select %gt3A, %broadcast_in_dim3A_62, %broadcast_in_dim3A_47 : vector<16xi1>, vector<16xi32>
      %select_n3A_69 = arith.select %gt3A, %select_n3A_60, %broadcast_in_dim3A : vector<16xi1>, vector<16xi32>
      %get3A_70 = arith.constant 1 : i32
      %get3A_71 = arith.index_cast %get3A_70 : i32 to index
      %get3A_72 = arith.index_cast %mul3A_44 : i32 to index
      %get3A_73 = tpu.vector_load %arg8[%get3A_71, %get3A_72] {strides = array<i32>} : memref<16x256xf32, #tpu.memory_space<vmem>>, vector<1x16xf32>,
      %get3A_74 = vector.shape_cast %get3A_73 : vector<1x16xf32> to vector<16xf32>
      %bitcast_convert_type3A_75 = tpu.bitcast %get3A_74 : vector<16xf32> -> vector<16xi32>
      %lt3A_76 = arith.constant 0 : i32
      %lt3A_77 = vector.broadcast %lt3A_76 : i32 to vector<16xi32>
      %lt3A_78 = arith.cmpi slt, %bitcast_convert_type3A_75, %lt3A_77 : vector<16xi32>
      %not3A_79 = arith.constant dense<-1> : vector<16xi32>
      %not3A_80 = arith.xori %bitcast_convert_type3A_75, %not3A_79 : vector<16xi32>
      %xor3A_81 = vector.broadcast %squeeze3A : i32 to vector<16xi32>
      %xor3A_82 = arith.xori %not3A_80, %xor3A_81 : vector<16xi32>
      %select_n3A_83 = arith.select %lt3A_78, %xor3A_82, %bitcast_convert_type3A_75 : vector<16xi1>, vector<16xi32>
      %broadcast_in_dim3A_84 = arith.constant 1 : i32
      %broadcast_in_dim3A_85 = vector.broadcast %broadcast_in_dim3A_84 : i32 to vector<16xi32>
      %gt3A_86 = arith.cmpi sgt, %select_n3A_83, %select_n3A_69 : vector<16xi32>
      %gt3A_87 = arith.cmpi sgt, %select_n3A_83, %select_n3A_67 : vector<16xi32>
      %select_n3A_88 = arith.select %gt3A_87, %broadcast_in_dim3A_85, %select_n3A_65 : vector<16xi1>, vector<16xi32>
      %select_n3A_89 = arith.select %gt3A_86, %select_n3A_68, %select_n3A_88 : vector<16xi1>, vector<16xi32>
      %select_n3A_90 = arith.select %gt3A_87, %select_n3A_83, %select_n3A_67 : vector<16xi1>, vector<16xi32>
      %select_n3A_91 = arith.select %gt3A_86, %select_n3A_69, %select_n3A_90 : vector<16xi1>, vector<16xi32>
      %select_n3A_92 = arith.select %gt3A_86, %broadcast_in_dim3A_85, %select_n3A_68 : vector<16xi1>, vector<16xi32>
      %select_n3A_93 = arith.select %gt3A_86, %select_n3A_83, %select_n3A_69 : vector<16xi1>, vector<16xi32>
      %get3A_94 = arith.constant 2 : i32
      %get3A_95 = arith.index_cast %get3A_94 : i32 to index
      %get3A_96 = arith.index_cast %mul3A_44 : i32 to index
      %get3A_97 = tpu.vector_load %arg8[%get3A_95, %get3A_96] {strides = array<i32>} : memref<16x256xf32, #tpu.memory_space<vmem>>, vector<1x16xf32>,
      %get3A_98 = vector.shape_cast %get3A_97 : vector<1x16xf32> to vector<16xf32>
      %bitcast_convert_type3A_99 = tpu.bitcast %get3A_98 : vector<16xf32> -> vector<16xi32>
      %lt3A_100 = arith.constant 0 : i32
      %lt3A_101 = vector.broadcast %lt3A_100 : i32 to vector<16xi32>
      %lt3A_102 = arith.cmpi slt, %bitcast_convert_type3A_99, %lt3A_101 : vector<16xi32>
      %not3A_103 = arith.constant dense<-1> : vector<16xi32>
      %not3A_104 = arith.xori %bitcast_convert_type3A_99, %not3A_103 : vector<16xi32>
      %xor3A_105 = vector.broadcast %squeeze3A : i32 to vector<16xi32>
      %xor3A_106 = arith.xori %not3A_104, %xor3A_105 : vector<16xi32>
      %select_n3A_107 = arith.select %lt3A_102, %xor3A_106, %bitcast_convert_type3A_99 : vector<16xi1>, vector<16xi32>
      %broadcast_in_dim3A_108 = arith.constant 2 : i32
      %broadcast_in_dim3A_109 = vector.broadcast %broadcast_in_dim3A_108 : i32 to vector<16xi32>
      %gt3A_110 = arith.cmpi sgt, %select_n3A_107, %select_n3A_93 : vector<16xi32>
      %gt3A_111 = arith.cmpi sgt, %select_n3A_107, %select_n3A_91 : vector<16xi32>
      %select_n3A_112 = arith.select %gt3A_111, %broadcast_in_dim3A_109, %select_n3A_89 : vector<16xi1>, vector<16xi32>
      %select_n3A_113 = arith.select %gt3A_110, %select_n3A_92, %select_n3A_112 : vector<16xi1>, vector<16xi32>
      %select_n3A_114 = arith.select %gt3A_111, %select_n3A_107, %select_n3A_91 : vector<16xi1>, vector<16xi32>
      %select_n3A_115 = arith.select %gt3A_110, %select_n3A_93, %select_n3A_114 : vector<16xi1>, vector<16xi32>
      %select_n3A_116 = arith.select %gt3A_110, %broadcast_in_dim3A_109, %select_n3A_92 : vector<16xi1>, vector<16xi32>
      %select_n3A_117 = arith.select %gt3A_110, %select_n3A_107, %select_n3A_93 : vector<16xi1>, vector<16xi32>
      %get3A_118 = arith.constant 3 : i32
      %get3A_119 = arith.index_cast %get3A_118 : i32 to index
      %get3A_120 = arith.index_cast %mul3A_44 : i32 to index
      %get3A_121 = tpu.vector_load %arg8[%get3A_119, %get3A_120] {strides = array<i32>} : memref<16x256xf32, #tpu.memory_space<vmem>>, vector<1x16xf32>,
      %get3A_122 = vector.shape_cast %get3A_121 : vector<1x16xf32> to vector<16xf32>
      %bitcast_convert_type3A_123 = tpu.bitcast %get3A_122 : vector<16xf32> -> vector<16xi32>
      %lt3A_124 = arith.constant 0 : i32
      %lt3A_125 = vector.broadcast %lt3A_124 : i32 to vector<16xi32>
      %lt3A_126 = arith.cmpi slt, %bitcast_convert_type3A_123, %lt3A_125 : vector<16xi32>
      %not3A_127 = arith.constant dense<-1> : vector<16xi32>
      %not3A_128 = arith.xori %bitcast_convert_type3A_123, %not3A_127 : vector<16xi32>
      %xor3A_129 = vector.broadcast %squeeze3A : i32 to vector<16xi32>
      %xor3A_130 = arith.xori %not3A_128, %xor3A_129 : vector<16xi32>
      %select_n3A_131 = arith.select %lt3A_126, %xor3A_130, %bitcast_convert_type3A_123 : vector<16xi1>, vector<16xi32>
      %broadcast_in_dim3A_132 = arith.constant 3 : i32
      %broadcast_in_dim3A_133 = vector.broadcast %broadcast_in_dim3A_132 : i32 to vector<16xi32>
      %gt3A_134 = arith.cmpi sgt, %select_n3A_131, %select_n3A_117 : vector<16xi32>
      %gt3A_135 = arith.cmpi sgt, %select_n3A_131, %select_n3A_115 : vector<16xi32>
      %select_n3A_136 = arith.select %gt3A_135, %broadcast_in_dim3A_133, %select_n3A_113 : vector<16xi1>, vector<16xi32>
      %select_n3A_137 = arith.select %gt3A_134, %select_n3A_116, %select_n3A_136 : vector<16xi1>, vector<16xi32>
      %select_n3A_138 = arith.select %gt3A_135, %select_n3A_131, %select_n3A_115 : vector<16xi1>, vector<16xi32>
      %select_n3A_139 = arith.select %gt3A_134, %select_n3A_117, %select_n3A_138 : vector<16xi1>, vector<16xi32>
      %select_n3A_140 = arith.select %gt3A_134, %broadcast_in_dim3A_133, %select_n3A_116 : vector<16xi1>, vector<16xi32>
      %select_n3A_141 = arith.select %gt3A_134, %select_n3A_131, %select_n3A_117 : vector<16xi1>, vector<16xi32>
      %get3A_142 = arith.constant 4 : i32
      %get3A_143 = arith.index_cast %get3A_142 : i32 to index
      %get3A_144 = arith.index_cast %mul3A_44 : i32 to index
      %get3A_145 = tpu.vector_load %arg8[%get3A_143, %get3A_144] {strides = array<i32>} : memref<16x256xf32, #tpu.memory_space<vmem>>, vector<1x16xf32>,
      %get3A_146 = vector.shape_cast %get3A_145 : vector<1x16xf32> to vector<16xf32>
      %bitcast_convert_type3A_147 = tpu.bitcast %get3A_146 : vector<16xf32> -> vector<16xi32>
      %lt3A_148 = arith.constant 0 : i32
      %lt3A_149 = vector.broadcast %lt3A_148 : i32 to vector<16xi32>
      %lt3A_150 = arith.cmpi slt, %bitcast_convert_type3A_147, %lt3A_149 : vector<16xi32>
      %not3A_151 = arith.constant dense<-1> : vector<16xi32>
      %not3A_152 = arith.xori %bitcast_convert_type3A_147, %not3A_151 : vector<16xi32>
      %xor3A_153 = vector.broadcast %squeeze3A : i32 to vector<16xi32>
      %xor3A_154 = arith.xori %not3A_152, %xor3A_153 : vector<16xi32>
      %select_n3A_155 = arith.select %lt3A_150, %xor3A_154, %bitcast_convert_type3A_147 : vector<16xi1>, vector<16xi32>
      %broadcast_in_dim3A_156 = arith.constant 4 : i32
      %broadcast_in_dim3A_157 = vector.broadcast %broadcast_in_dim3A_156 : i32 to vector<16xi32>
      %gt3A_158 = arith.cmpi sgt, %select_n3A_155, %select_n3A_141 : vector<16xi32>
      %gt3A_159 = arith.cmpi sgt, %select_n3A_155, %select_n3A_139 : vector<16xi32>
      %select_n3A_160 = arith.select %gt3A_159, %broadcast_in_dim3A_157, %select_n3A_137 : vector<16xi1>, vector<16xi32>
      %select_n3A_161 = arith.select %gt3A_158, %select_n3A_140, %select_n3A_160 : vector<16xi1>, vector<16xi32>
      %select_n3A_162 = arith.select %gt3A_159, %select_n3A_155, %select_n3A_139 : vector<16xi1>, vector<16xi32>
      %select_n3A_163 = arith.select %gt3A_158, %select_n3A_141, %select_n3A_162 : vector<16xi1>, vector<16xi32>
      %select_n3A_164 = arith.select %gt3A_158, %broadcast_in_dim3A_157, %select_n3A_140 : vector<16xi1>, vector<16xi32>
      %select_n3A_165 = arith.select %gt3A_158, %select_n3A_155, %select_n3A_141 : vector<16xi1>, vector<16xi32>
      %get3A_166 = arith.constant 5 : i32
      %get3A_167 = arith.index_cast %get3A_166 : i32 to index
      %get3A_168 = arith.index_cast %mul3A_44 : i32 to index
      %get3A_169 = tpu.vector_load %arg8[%get3A_167, %get3A_168] {strides = array<i32>} : memref<16x256xf32, #tpu.memory_space<vmem>>, vector<1x16xf32>,
      %get3A_170 = vector.shape_cast %get3A_169 : vector<1x16xf32> to vector<16xf32>
      %bitcast_convert_type3A_171 = tpu.bitcast %get3A_170 : vector<16xf32> -> vector<16xi32>
      %lt3A_172 = arith.constant 0 : i32
      %lt3A_173 = vector.broadcast %lt3A_172 : i32 to vector<16xi32>
      %lt3A_174 = arith.cmpi slt, %bitcast_convert_type3A_171, %lt3A_173 : vector<16xi32>
      %not3A_175 = arith.constant dense<-1> : vector<16xi32>
      %not3A_176 = arith.xori %bitcast_convert_type3A_171, %not3A_175 : vector<16xi32>
      %xor3A_177 = vector.broadcast %squeeze3A : i32 to vector<16xi32>
      %xor3A_178 = arith.xori %not3A_176, %xor3A_177 : vector<16xi32>
      %select_n3A_179 = arith.select %lt3A_174, %xor3A_178, %bitcast_convert_type3A_171 : vector<16xi1>, vector<16xi32>
      %broadcast_in_dim3A_180 = arith.constant 5 : i32
      %broadcast_in_dim3A_181 = vector.broadcast %broadcast_in_dim3A_180 : i32 to vector<16xi32>
      %gt3A_182 = arith.cmpi sgt, %select_n3A_179, %select_n3A_165 : vector<16xi32>
      %gt3A_183 = arith.cmpi sgt, %select_n3A_179, %select_n3A_163 : vector<16xi32>
      %select_n3A_184 = arith.select %gt3A_183, %broadcast_in_dim3A_181, %select_n3A_161 : vector<16xi1>, vector<16xi32>
      %select_n3A_185 = arith.select %gt3A_182, %select_n3A_164, %select_n3A_184 : vector<16xi1>, vector<16xi32>
      %select_n3A_186 = arith.select %gt3A_183, %select_n3A_179, %select_n3A_163 : vector<16xi1>, vector<16xi32>
      %select_n3A_187 = arith.select %gt3A_182, %select_n3A_165, %select_n3A_186 : vector<16xi1>, vector<16xi32>
      %select_n3A_188 = arith.select %gt3A_182, %broadcast_in_dim3A_181, %select_n3A_164 : vector<16xi1>, vector<16xi32>
      %select_n3A_189 = arith.select %gt3A_182, %select_n3A_179, %select_n3A_165 : vector<16xi1>, vector<16xi32>
      %get3A_190 = arith.constant 6 : i32
      %get3A_191 = arith.index_cast %get3A_190 : i32 to index
      %get3A_192 = arith.index_cast %mul3A_44 : i32 to index
      %get3A_193 = tpu.vector_load %arg8[%get3A_191, %get3A_192] {strides = array<i32>} : memref<16x256xf32, #tpu.memory_space<vmem>>, vector<1x16xf32>,
      %get3A_194 = vector.shape_cast %get3A_193 : vector<1x16xf32> to vector<16xf32>
      %bitcast_convert_type3A_195 = tpu.bitcast %get3A_194 : vector<16xf32> -> vector<16xi32>
      %lt3A_196 = arith.constant 0 : i32
      %lt3A_197 = vector.broadcast %lt3A_196 : i32 to vector<16xi32>
      %lt3A_198 = arith.cmpi slt, %bitcast_convert_type3A_195, %lt3A_197 : vector<16xi32>
      %not3A_199 = arith.constant dense<-1> : vector<16xi32>
      %not3A_200 = arith.xori %bitcast_convert_type3A_195, %not3A_199 : vector<16xi32>
      %xor3A_201 = vector.broadcast %squeeze3A : i32 to vector<16xi32>
      %xor3A_202 = arith.xori %not3A_200, %xor3A_201 : vector<16xi32>
      %select_n3A_203 = arith.select %lt3A_198, %xor3A_202, %bitcast_convert_type3A_195 : vector<16xi1>, vector<16xi32>
      %broadcast_in_dim3A_204 = arith.constant 6 : i32
      %broadcast_in_dim3A_205 = vector.broadcast %broadcast_in_dim3A_204 : i32 to vector<16xi32>
      %gt3A_206 = arith.cmpi sgt, %select_n3A_203, %select_n3A_189 : vector<16xi32>
      %gt3A_207 = arith.cmpi sgt, %select_n3A_203, %select_n3A_187 : vector<16xi32>
      %select_n3A_208 = arith.select %gt3A_207, %broadcast_in_dim3A_205, %select_n3A_185 : vector<16xi1>, vector<16xi32>
      %select_n3A_209 = arith.select %gt3A_206, %select_n3A_188, %select_n3A_208 : vector<16xi1>, vector<16xi32>
      %select_n3A_210 = arith.select %gt3A_207, %select_n3A_203, %select_n3A_187 : vector<16xi1>, vector<16xi32>
      %select_n3A_211 = arith.select %gt3A_206, %select_n3A_189, %select_n3A_210 : vector<16xi1>, vector<16xi32>
      %select_n3A_212 = arith.select %gt3A_206, %broadcast_in_dim3A_205, %select_n3A_188 : vector<16xi1>, vector<16xi32>
      %select_n3A_213 = arith.select %gt3A_206, %select_n3A_203, %select_n3A_189 : vector<16xi1>, vector<16xi32>
      %get3A_214 = arith.constant 7 : i32
      %get3A_215 = arith.index_cast %get3A_214 : i32 to index
      %get3A_216 = arith.index_cast %mul3A_44 : i32 to index
      %get3A_217 = tpu.vector_load %arg8[%get3A_215, %get3A_216] {strides = array<i32>} : memref<16x256xf32, #tpu.memory_space<vmem>>, vector<1x16xf32>,
      %get3A_218 = vector.shape_cast %get3A_217 : vector<1x16xf32> to vector<16xf32>
      %bitcast_convert_type3A_219 = tpu.bitcast %get3A_218 : vector<16xf32> -> vector<16xi32>
      %lt3A_220 = arith.constant 0 : i32
      %lt3A_221 = vector.broadcast %lt3A_220 : i32 to vector<16xi32>
      %lt3A_222 = arith.cmpi slt, %bitcast_convert_type3A_219, %lt3A_221 : vector<16xi32>
      %not3A_223 = arith.constant dense<-1> : vector<16xi32>
      %not3A_224 = arith.xori %bitcast_convert_type3A_219, %not3A_223 : vector<16xi32>
      %xor3A_225 = vector.broadcast %squeeze3A : i32 to vector<16xi32>
      %xor3A_226 = arith.xori %not3A_224, %xor3A_225 : vector<16xi32>
      %select_n3A_227 = arith.select %lt3A_222, %xor3A_226, %bitcast_convert_type3A_219 : vector<16xi1>, vector<16xi32>
      %broadcast_in_dim3A_228 = arith.constant 7 : i32
      %broadcast_in_dim3A_229 = vector.broadcast %broadcast_in_dim3A_228 : i32 to vector<16xi32>
      %gt3A_230 = arith.cmpi sgt, %select_n3A_227, %select_n3A_213 : vector<16xi32>
      %gt3A_231 = arith.cmpi sgt, %select_n3A_227, %select_n3A_211 : vector<16xi32>
      %select_n3A_232 = arith.select %gt3A_231, %broadcast_in_dim3A_229, %select_n3A_209 : vector<16xi1>, vector<16xi32>
      %select_n3A_233 = arith.select %gt3A_230, %select_n3A_212, %select_n3A_232 : vector<16xi1>, vector<16xi32>
      %select_n3A_234 = arith.select %gt3A_231, %select_n3A_227, %select_n3A_211 : vector<16xi1>, vector<16xi32>
      %select_n3A_235 = arith.select %gt3A_230, %select_n3A_213, %select_n3A_234 : vector<16xi1>, vector<16xi32>
      %select_n3A_236 = arith.select %gt3A_230, %broadcast_in_dim3A_229, %select_n3A_212 : vector<16xi1>, vector<16xi32>
      %select_n3A_237 = arith.select %gt3A_230, %select_n3A_227, %select_n3A_213 : vector<16xi1>, vector<16xi32>
      %get3A_238 = arith.constant 8 : i32
      %get3A_239 = arith.index_cast %get3A_238 : i32 to index
      %get3A_240 = arith.index_cast %mul3A_44 : i32 to index
      %get3A_241 = tpu.vector_load %arg8[%get3A_239, %get3A_240] {strides = array<i32>} : memref<16x256xf32, #tpu.memory_space<vmem>>, vector<1x16xf32>,
      %get3A_242 = vector.shape_cast %get3A_241 : vector<1x16xf32> to vector<16xf32>
      %bitcast_convert_type3A_243 = tpu.bitcast %get3A_242 : vector<16xf32> -> vector<16xi32>
      %lt3A_244 = arith.constant 0 : i32
      %lt3A_245 = vector.broadcast %lt3A_244 : i32 to vector<16xi32>
      %lt3A_246 = arith.cmpi slt, %bitcast_convert_type3A_243, %lt3A_245 : vector<16xi32>
      %not3A_247 = arith.constant dense<-1> : vector<16xi32>
      %not3A_248 = arith.xori %bitcast_convert_type3A_243, %not3A_247 : vector<16xi32>
      %xor3A_249 = vector.broadcast %squeeze3A : i32 to vector<16xi32>
      %xor3A_250 = arith.xori %not3A_248, %xor3A_249 : vector<16xi32>
      %select_n3A_251 = arith.select %lt3A_246, %xor3A_250, %bitcast_convert_type3A_243 : vector<16xi1>, vector<16xi32>
      %broadcast_in_dim3A_252 = arith.constant 8 : i32
      %broadcast_in_dim3A_253 = vector.broadcast %broadcast_in_dim3A_252 : i32 to vector<16xi32>
      %gt3A_254 = arith.cmpi sgt, %select_n3A_251, %select_n3A_237 : vector<16xi32>
      %gt3A_255 = arith.cmpi sgt, %select_n3A_251, %select_n3A_235 : vector<16xi32>
      %select_n3A_256 = arith.select %gt3A_255, %broadcast_in_dim3A_253, %select_n3A_233 : vector<16xi1>, vector<16xi32>
      %select_n3A_257 = arith.select %gt3A_254, %select_n3A_236, %select_n3A_256 : vector<16xi1>, vector<16xi32>
      %select_n3A_258 = arith.select %gt3A_255, %select_n3A_251, %select_n3A_235 : vector<16xi1>, vector<16xi32>
      %select_n3A_259 = arith.select %gt3A_254, %select_n3A_237, %select_n3A_258 : vector<16xi1>, vector<16xi32>
      %select_n3A_260 = arith.select %gt3A_254, %broadcast_in_dim3A_253, %select_n3A_236 : vector<16xi1>, vector<16xi32>
      %select_n3A_261 = arith.select %gt3A_254, %select_n3A_251, %select_n3A_237 : vector<16xi1>, vector<16xi32>
      %get3A_262 = arith.constant 9 : i32
      %get3A_263 = arith.index_cast %get3A_262 : i32 to index
      %get3A_264 = arith.index_cast %mul3A_44 : i32 to index
      %get3A_265 = tpu.vector_load %arg8[%get3A_263, %get3A_264] {strides = array<i32>} : memref<16x256xf32, #tpu.memory_space<vmem>>, vector<1x16xf32>,
      %get3A_266 = vector.shape_cast %get3A_265 : vector<1x16xf32> to vector<16xf32>
      %bitcast_convert_type3A_267 = tpu.bitcast %get3A_266 : vector<16xf32> -> vector<16xi32>
      %lt3A_268 = arith.constant 0 : i32
      %lt3A_269 = vector.broadcast %lt3A_268 : i32 to vector<16xi32>
      %lt3A_270 = arith.cmpi slt, %bitcast_convert_type3A_267, %lt3A_269 : vector<16xi32>
      %not3A_271 = arith.constant dense<-1> : vector<16xi32>
      %not3A_272 = arith.xori %bitcast_convert_type3A_267, %not3A_271 : vector<16xi32>
      %xor3A_273 = vector.broadcast %squeeze3A : i32 to vector<16xi32>
      %xor3A_274 = arith.xori %not3A_272, %xor3A_273 : vector<16xi32>
      %select_n3A_275 = arith.select %lt3A_270, %xor3A_274, %bitcast_convert_type3A_267 : vector<16xi1>, vector<16xi32>
      %broadcast_in_dim3A_276 = arith.constant 9 : i32
      %broadcast_in_dim3A_277 = vector.broadcast %broadcast_in_dim3A_276 : i32 to vector<16xi32>
      %gt3A_278 = arith.cmpi sgt, %select_n3A_275, %select_n3A_261 : vector<16xi32>
      %gt3A_279 = arith.cmpi sgt, %select_n3A_275, %select_n3A_259 : vector<16xi32>
      %select_n3A_280 = arith.select %gt3A_279, %broadcast_in_dim3A_277, %select_n3A_257 : vector<16xi1>, vector<16xi32>
      %select_n3A_281 = arith.select %gt3A_278, %select_n3A_260, %select_n3A_280 : vector<16xi1>, vector<16xi32>
      %select_n3A_282 = arith.select %gt3A_279, %select_n3A_275, %select_n3A_259 : vector<16xi1>, vector<16xi32>
      %select_n3A_283 = arith.select %gt3A_278, %select_n3A_261, %select_n3A_282 : vector<16xi1>, vector<16xi32>
      %select_n3A_284 = arith.select %gt3A_278, %broadcast_in_dim3A_277, %select_n3A_260 : vector<16xi1>, vector<16xi32>
      %select_n3A_285 = arith.select %gt3A_278, %select_n3A_275, %select_n3A_261 : vector<16xi1>, vector<16xi32>
      %get3A_286 = arith.constant 10 : i32
      %get3A_287 = arith.index_cast %get3A_286 : i32 to index
      %get3A_288 = arith.index_cast %mul3A_44 : i32 to index
      %get3A_289 = tpu.vector_load %arg8[%get3A_287, %get3A_288] {strides = array<i32>} : memref<16x256xf32, #tpu.memory_space<vmem>>, vector<1x16xf32>,
      %get3A_290 = vector.shape_cast %get3A_289 : vector<1x16xf32> to vector<16xf32>
      %bitcast_convert_type3A_291 = tpu.bitcast %get3A_290 : vector<16xf32> -> vector<16xi32>
      %lt3A_292 = arith.constant 0 : i32
      %lt3A_293 = vector.broadcast %lt3A_292 : i32 to vector<16xi32>
      %lt3A_294 = arith.cmpi slt, %bitcast_convert_type3A_291, %lt3A_293 : vector<16xi32>
      %not3A_295 = arith.constant dense<-1> : vector<16xi32>
      %not3A_296 = arith.xori %bitcast_convert_type3A_291, %not3A_295 : vector<16xi32>
      %xor3A_297 = vector.broadcast %squeeze3A : i32 to vector<16xi32>
      %xor3A_298 = arith.xori %not3A_296, %xor3A_297 : vector<16xi32>
      %select_n3A_299 = arith.select %lt3A_294, %xor3A_298, %bitcast_convert_type3A_291 : vector<16xi1>, vector<16xi32>
      %broadcast_in_dim3A_300 = arith.constant 10 : i32
      %broadcast_in_dim3A_301 = vector.broadcast %broadcast_in_dim3A_300 : i32 to vector<16xi32>
      %gt3A_302 = arith.cmpi sgt, %select_n3A_299, %select_n3A_285 : vector<16xi32>
      %gt3A_303 = arith.cmpi sgt, %select_n3A_299, %select_n3A_283 : vector<16xi32>
      %select_n3A_304 = arith.select %gt3A_303, %broadcast_in_dim3A_301, %select_n3A_281 : vector<16xi1>, vector<16xi32>
      %select_n3A_305 = arith.select %gt3A_302, %select_n3A_284, %select_n3A_304 : vector<16xi1>, vector<16xi32>
      %select_n3A_306 = arith.select %gt3A_303, %select_n3A_299, %select_n3A_283 : vector<16xi1>, vector<16xi32>
      %select_n3A_307 = arith.select %gt3A_302, %select_n3A_285, %select_n3A_306 : vector<16xi1>, vector<16xi32>
      %select_n3A_308 = arith.select %gt3A_302, %broadcast_in_dim3A_301, %select_n3A_284 : vector<16xi1>, vector<16xi32>
      %select_n3A_309 = arith.select %gt3A_302, %select_n3A_299, %select_n3A_285 : vector<16xi1>, vector<16xi32>
      %get3A_310 = arith.constant 11 : i32
      %get3A_311 = arith.index_cast %get3A_310 : i32 to index
      %get3A_312 = arith.index_cast %mul3A_44 : i32 to index
      %get3A_313 = tpu.vector_load %arg8[%get3A_311, %get3A_312] {strides = array<i32>} : memref<16x256xf32, #tpu.memory_space<vmem>>, vector<1x16xf32>,
      %get3A_314 = vector.shape_cast %get3A_313 : vector<1x16xf32> to vector<16xf32>
      %bitcast_convert_type3A_315 = tpu.bitcast %get3A_314 : vector<16xf32> -> vector<16xi32>
      %lt3A_316 = arith.constant 0 : i32
      %lt3A_317 = vector.broadcast %lt3A_316 : i32 to vector<16xi32>
      %lt3A_318 = arith.cmpi slt, %bitcast_convert_type3A_315, %lt3A_317 : vector<16xi32>
      %not3A_319 = arith.constant dense<-1> : vector<16xi32>
      %not3A_320 = arith.xori %bitcast_convert_type3A_315, %not3A_319 : vector<16xi32>
      %xor3A_321 = vector.broadcast %squeeze3A : i32 to vector<16xi32>
      %xor3A_322 = arith.xori %not3A_320, %xor3A_321 : vector<16xi32>
      %select_n3A_323 = arith.select %lt3A_318, %xor3A_322, %bitcast_convert_type3A_315 : vector<16xi1>, vector<16xi32>
      %broadcast_in_dim3A_324 = arith.constant 11 : i32
      %broadcast_in_dim3A_325 = vector.broadcast %broadcast_in_dim3A_324 : i32 to vector<16xi32>
      %gt3A_326 = arith.cmpi sgt, %select_n3A_323, %select_n3A_309 : vector<16xi32>
      %gt3A_327 = arith.cmpi sgt, %select_n3A_323, %select_n3A_307 : vector<16xi32>
      %select_n3A_328 = arith.select %gt3A_327, %broadcast_in_dim3A_325, %select_n3A_305 : vector<16xi1>, vector<16xi32>
      %select_n3A_329 = arith.select %gt3A_326, %select_n3A_308, %select_n3A_328 : vector<16xi1>, vector<16xi32>
      %select_n3A_330 = arith.select %gt3A_327, %select_n3A_323, %select_n3A_307 : vector<16xi1>, vector<16xi32>
      %select_n3A_331 = arith.select %gt3A_326, %select_n3A_309, %select_n3A_330 : vector<16xi1>, vector<16xi32>
      %select_n3A_332 = arith.select %gt3A_326, %broadcast_in_dim3A_325, %select_n3A_308 : vector<16xi1>, vector<16xi32>
      %select_n3A_333 = arith.select %gt3A_326, %select_n3A_323, %select_n3A_309 : vector<16xi1>, vector<16xi32>
      %get3A_334 = arith.constant 12 : i32
      %get3A_335 = arith.index_cast %get3A_334 : i32 to index
      %get3A_336 = arith.index_cast %mul3A_44 : i32 to index
      %get3A_337 = tpu.vector_load %arg8[%get3A_335, %get3A_336] {strides = array<i32>} : memref<16x256xf32, #tpu.memory_space<vmem>>, vector<1x16xf32>,
      %get3A_338 = vector.shape_cast %get3A_337 : vector<1x16xf32> to vector<16xf32>
      %bitcast_convert_type3A_339 = tpu.bitcast %get3A_338 : vector<16xf32> -> vector<16xi32>
      %lt3A_340 = arith.constant 0 : i32
      %lt3A_341 = vector.broadcast %lt3A_340 : i32 to vector<16xi32>
      %lt3A_342 = arith.cmpi slt, %bitcast_convert_type3A_339, %lt3A_341 : vector<16xi32>
      %not3A_343 = arith.constant dense<-1> : vector<16xi32>
      %not3A_344 = arith.xori %bitcast_convert_type3A_339, %not3A_343 : vector<16xi32>
      %xor3A_345 = vector.broadcast %squeeze3A : i32 to vector<16xi32>
      %xor3A_346 = arith.xori %not3A_344, %xor3A_345 : vector<16xi32>
      %select_n3A_347 = arith.select %lt3A_342, %xor3A_346, %bitcast_convert_type3A_339 : vector<16xi1>, vector<16xi32>
      %broadcast_in_dim3A_348 = arith.constant 12 : i32
      %broadcast_in_dim3A_349 = vector.broadcast %broadcast_in_dim3A_348 : i32 to vector<16xi32>
      %gt3A_350 = arith.cmpi sgt, %select_n3A_347, %select_n3A_333 : vector<16xi32>
      %gt3A_351 = arith.cmpi sgt, %select_n3A_347, %select_n3A_331 : vector<16xi32>
      %select_n3A_352 = arith.select %gt3A_351, %broadcast_in_dim3A_349, %select_n3A_329 : vector<16xi1>, vector<16xi32>
      %select_n3A_353 = arith.select %gt3A_350, %select_n3A_332, %select_n3A_352 : vector<16xi1>, vector<16xi32>
      %select_n3A_354 = arith.select %gt3A_351, %select_n3A_347, %select_n3A_331 : vector<16xi1>, vector<16xi32>
      %select_n3A_355 = arith.select %gt3A_350, %select_n3A_333, %select_n3A_354 : vector<16xi1>, vector<16xi32>
      %select_n3A_356 = arith.select %gt3A_350, %broadcast_in_dim3A_349, %select_n3A_332 : vector<16xi1>, vector<16xi32>
      %select_n3A_357 = arith.select %gt3A_350, %select_n3A_347, %select_n3A_333 : vector<16xi1>, vector<16xi32>
      %get3A_358 = arith.constant 13 : i32
      %get3A_359 = arith.index_cast %get3A_358 : i32 to index
      %get3A_360 = arith.index_cast %mul3A_44 : i32 to index
      %get3A_361 = tpu.vector_load %arg8[%get3A_359, %get3A_360] {strides = array<i32>} : memref<16x256xf32, #tpu.memory_space<vmem>>, vector<1x16xf32>,
      %get3A_362 = vector.shape_cast %get3A_361 : vector<1x16xf32> to vector<16xf32>
      %bitcast_convert_type3A_363 = tpu.bitcast %get3A_362 : vector<16xf32> -> vector<16xi32>
      %lt3A_364 = arith.constant 0 : i32
      %lt3A_365 = vector.broadcast %lt3A_364 : i32 to vector<16xi32>
      %lt3A_366 = arith.cmpi slt, %bitcast_convert_type3A_363, %lt3A_365 : vector<16xi32>
      %not3A_367 = arith.constant dense<-1> : vector<16xi32>
      %not3A_368 = arith.xori %bitcast_convert_type3A_363, %not3A_367 : vector<16xi32>
      %xor3A_369 = vector.broadcast %squeeze3A : i32 to vector<16xi32>
      %xor3A_370 = arith.xori %not3A_368, %xor3A_369 : vector<16xi32>
      %select_n3A_371 = arith.select %lt3A_366, %xor3A_370, %bitcast_convert_type3A_363 : vector<16xi1>, vector<16xi32>
      %broadcast_in_dim3A_372 = arith.constant 13 : i32
      %broadcast_in_dim3A_373 = vector.broadcast %broadcast_in_dim3A_372 : i32 to vector<16xi32>
      %gt3A_374 = arith.cmpi sgt, %select_n3A_371, %select_n3A_357 : vector<16xi32>
      %gt3A_375 = arith.cmpi sgt, %select_n3A_371, %select_n3A_355 : vector<16xi32>
      %select_n3A_376 = arith.select %gt3A_375, %broadcast_in_dim3A_373, %select_n3A_353 : vector<16xi1>, vector<16xi32>
      %select_n3A_377 = arith.select %gt3A_374, %select_n3A_356, %select_n3A_376 : vector<16xi1>, vector<16xi32>
      %select_n3A_378 = arith.select %gt3A_375, %select_n3A_371, %select_n3A_355 : vector<16xi1>, vector<16xi32>
      %select_n3A_379 = arith.select %gt3A_374, %select_n3A_357, %select_n3A_378 : vector<16xi1>, vector<16xi32>
      %select_n3A_380 = arith.select %gt3A_374, %broadcast_in_dim3A_373, %select_n3A_356 : vector<16xi1>, vector<16xi32>
      %select_n3A_381 = arith.select %gt3A_374, %select_n3A_371, %select_n3A_357 : vector<16xi1>, vector<16xi32>
      %get3A_382 = arith.constant 14 : i32
      %get3A_383 = arith.index_cast %get3A_382 : i32 to index
      %get3A_384 = arith.index_cast %mul3A_44 : i32 to index
      %get3A_385 = tpu.vector_load %arg8[%get3A_383, %get3A_384] {strides = array<i32>} : memref<16x256xf32, #tpu.memory_space<vmem>>, vector<1x16xf32>,
      %get3A_386 = vector.shape_cast %get3A_385 : vector<1x16xf32> to vector<16xf32>
      %bitcast_convert_type3A_387 = tpu.bitcast %get3A_386 : vector<16xf32> -> vector<16xi32>
      %lt3A_388 = arith.constant 0 : i32
      %lt3A_389 = vector.broadcast %lt3A_388 : i32 to vector<16xi32>
      %lt3A_390 = arith.cmpi slt, %bitcast_convert_type3A_387, %lt3A_389 : vector<16xi32>
      %not3A_391 = arith.constant dense<-1> : vector<16xi32>
      %not3A_392 = arith.xori %bitcast_convert_type3A_387, %not3A_391 : vector<16xi32>
      %xor3A_393 = vector.broadcast %squeeze3A : i32 to vector<16xi32>
      %xor3A_394 = arith.xori %not3A_392, %xor3A_393 : vector<16xi32>
      %select_n3A_395 = arith.select %lt3A_390, %xor3A_394, %bitcast_convert_type3A_387 : vector<16xi1>, vector<16xi32>
      %broadcast_in_dim3A_396 = arith.constant 14 : i32
      %broadcast_in_dim3A_397 = vector.broadcast %broadcast_in_dim3A_396 : i32 to vector<16xi32>
      %gt3A_398 = arith.cmpi sgt, %select_n3A_395, %select_n3A_381 : vector<16xi32>
      %gt3A_399 = arith.cmpi sgt, %select_n3A_395, %select_n3A_379 : vector<16xi32>
      %select_n3A_400 = arith.select %gt3A_399, %broadcast_in_dim3A_397, %select_n3A_377 : vector<16xi1>, vector<16xi32>
      %select_n3A_401 = arith.select %gt3A_398, %select_n3A_380, %select_n3A_400 : vector<16xi1>, vector<16xi32>
      %select_n3A_402 = arith.select %gt3A_399, %select_n3A_395, %select_n3A_379 : vector<16xi1>, vector<16xi32>
      %select_n3A_403 = arith.select %gt3A_398, %select_n3A_381, %select_n3A_402 : vector<16xi1>, vector<16xi32>
      %select_n3A_404 = arith.select %gt3A_398, %broadcast_in_dim3A_397, %select_n3A_380 : vector<16xi1>, vector<16xi32>
      %select_n3A_405 = arith.select %gt3A_398, %select_n3A_395, %select_n3A_381 : vector<16xi1>, vector<16xi32>
      %get3A_406 = arith.constant 15 : i32
      %get3A_407 = arith.index_cast %get3A_406 : i32 to index
      %get3A_408 = arith.index_cast %mul3A_44 : i32 to index
      %get3A_409 = tpu.vector_load %arg8[%get3A_407, %get3A_408] {strides = array<i32>} : memref<16x256xf32, #tpu.memory_space<vmem>>, vector<1x16xf32>,
      %get3A_410 = vector.shape_cast %get3A_409 : vector<1x16xf32> to vector<16xf32>
      %bitcast_convert_type3A_411 = tpu.bitcast %get3A_410 : vector<16xf32> -> vector<16xi32>
      %lt3A_412 = arith.constant 0 : i32
      %lt3A_413 = vector.broadcast %lt3A_412 : i32 to vector<16xi32>
      %lt3A_414 = arith.cmpi slt, %bitcast_convert_type3A_411, %lt3A_413 : vector<16xi32>
      %not3A_415 = arith.constant dense<-1> : vector<16xi32>
      %not3A_416 = arith.xori %bitcast_convert_type3A_411, %not3A_415 : vector<16xi32>
      %xor3A_417 = vector.broadcast %squeeze3A : i32 to vector<16xi32>
      %xor3A_418 = arith.xori %not3A_416, %xor3A_417 : vector<16xi32>
      %select_n3A_419 = arith.select %lt3A_414, %xor3A_418, %bitcast_convert_type3A_411 : vector<16xi1>, vector<16xi32>
      %broadcast_in_dim3A_420 = arith.constant 15 : i32
      %broadcast_in_dim3A_421 = vector.broadcast %broadcast_in_dim3A_420 : i32 to vector<16xi32>
      %gt3A_422 = arith.cmpi sgt, %select_n3A_419, %select_n3A_405 : vector<16xi32>
      %gt3A_423 = arith.cmpi sgt, %select_n3A_419, %select_n3A_403 : vector<16xi32>
      %select_n3A_424 = arith.select %gt3A_423, %broadcast_in_dim3A_421, %select_n3A_401 : vector<16xi1>, vector<16xi32>
      %select_n3A_425 = arith.select %gt3A_422, %select_n3A_404, %select_n3A_424 : vector<16xi1>, vector<16xi32>
      %select_n3A_426 = arith.select %gt3A_423, %select_n3A_419, %select_n3A_403 : vector<16xi1>, vector<16xi32>
      %select_n3A_427 = arith.select %gt3A_422, %select_n3A_405, %select_n3A_426 : vector<16xi1>, vector<16xi32>
      %select_n3A_428 = arith.select %gt3A_422, %broadcast_in_dim3A_421, %select_n3A_404 : vector<16xi1>, vector<16xi32>
      %select_n3A_429 = arith.select %gt3A_422, %select_n3A_419, %select_n3A_405 : vector<16xi1>, vector<16xi32>
      %lt3A_430 = arith.constant 0 : i32
      %lt3A_431 = vector.broadcast %lt3A_430 : i32 to vector<16xi32>
      %lt3A_432 = arith.cmpi slt, %select_n3A_429, %lt3A_431 : vector<16xi32>
      %not3A_433 = arith.constant dense<-1> : vector<16xi32>
      %not3A_434 = arith.xori %select_n3A_429, %not3A_433 : vector<16xi32>
      %xor3A_435 = vector.broadcast %squeeze3A : i32 to vector<16xi32>
      %xor3A_436 = arith.xori %not3A_434, %xor3A_435 : vector<16xi32>
      %select_n3A_437 = arith.select %lt3A_432, %xor3A_436, %select_n3A_429 : vector<16xi1>, vector<16xi32>
      %bitcast_convert_type3A_438 = tpu.bitcast %select_n3A_437 : vector<16xi32> -> vector<16xf32>
      %lt3A_439 = arith.constant 0 : i32
      %lt3A_440 = vector.broadcast %lt3A_439 : i32 to vector<16xi32>
      %lt3A_441 = arith.cmpi slt, %select_n3A_427, %lt3A_440 : vector<16xi32>
      %not3A_442 = arith.constant dense<-1> : vector<16xi32>
      %not3A_443 = arith.xori %select_n3A_427, %not3A_442 : vector<16xi32>
      %xor3A_444 = vector.broadcast %squeeze3A : i32 to vector<16xi32>
      %xor3A_445 = arith.xori %not3A_443, %xor3A_444 : vector<16xi32>
      %select_n3A_446 = arith.select %lt3A_441, %xor3A_445, %select_n3A_427 : vector<16xi1>, vector<16xi32>
      %bitcast_convert_type3A_447 = tpu.bitcast %select_n3A_446 : vector<16xi32> -> vector<16xf32>
      %sub3A_448 = arith.subf %bitcast_convert_type3A_447, %bitcast_convert_type3A_438 : vector<16xf32>
      %exp3A = math.exp %sub3A_448 : vector<16xf32>
      %add3A_449 = arith.constant 1.000000e+00 : f32
      %add3A_450 = vector.broadcast %add3A_449 : f32 to vector<16xf32>
      %add3A_451 = arith.addf %add3A_450, %exp3A : vector<16xf32>
      %div3A_452 = arith.constant 1.000000e+00 : f32
      %div3A_453 = vector.broadcast %div3A_452 : f32 to vector<16xf32>
      %div3A_454 = arith.divf %div3A_453, %add3A_451 : vector<16xf32>
      %swap3A = arith.index_cast %mul3A_44 : i32 to index
      %swap3A_455 = tpu.vector_load %arg9[%swap3A] {strides = array<i32>} : memref<256xf32, #tpu.memory_space<vmem>>, vector<16xf32>,
      %swap3A_456 = vector.shape_cast %swap3A_455 : vector<16xf32> to vector<16xf32>
      %swap3A_457 = vector.shape_cast %div3A_454 : vector<16xf32> to vector<16xf32>
      tpu.vector_store %arg9[%swap3A], %swap3A_457 {strides = array<i32>} : memref<256xf32, #tpu.memory_space<vmem>>, vector<16xf32>,
      %div3A_458 = arith.divf %exp3A, %add3A_451 : vector<16xf32>
      %swap3A_459 = arith.index_cast %mul3A_44 : i32 to index
      %swap3A_460 = tpu.vector_load %arg10[%swap3A_459] {strides = array<i32>} : memref<256xf32, #tpu.memory_space<vmem>>, vector<16xf32>,
      %swap3A_461 = vector.shape_cast %swap3A_460 : vector<16xf32> to vector<16xf32>
      %swap3A_462 = vector.shape_cast %div3A_458 : vector<16xf32> to vector<16xf32>
      tpu.vector_store %arg10[%swap3A_459], %swap3A_462 {strides = array<i32>} : memref<256xf32, #tpu.memory_space<vmem>>, vector<16xf32>,
      %swap3A_463 = arith.index_cast %mul3A_44 : i32 to index
      %swap3A_464 = tpu.vector_load %arg11[%swap3A_463] {strides = array<i32>} : memref<256xi32, #tpu.memory_space<vmem>>, vector<16xi32>,
      %swap3A_465 = vector.shape_cast %swap3A_464 : vector<16xi32> to vector<16xi32>
      %swap3A_466 = vector.shape_cast %select_n3A_428 : vector<16xi32> to vector<16xi32>
      tpu.vector_store %arg11[%swap3A_463], %swap3A_466 {strides = array<i32>} : memref<256xi32, #tpu.memory_space<vmem>>, vector<16xi32>,
      %swap3A_467 = arith.index_cast %mul3A_44 : i32 to index
      %swap3A_468 = tpu.vector_load %arg12[%swap3A_467] {strides = array<i32>} : memref<256xi32, #tpu.memory_space<vmem>>, vector<16xi32>,
      %swap3A_469 = vector.shape_cast %swap3A_468 : vector<16xi32> to vector<16xi32>
      %swap3A_470 = vector.shape_cast %select_n3A_425 : vector<16xi32> to vector<16xi32>
      tpu.vector_store %arg12[%swap3A_467], %swap3A_470 {strides = array<i32>} : memref<256xi32, #tpu.memory_space<vmem>>, vector<16xi32>,
      %scan3A_471 = arith.constant 0 : i32
      scf.yield %scan3A_471 : i32
    }
    %scan3A_40 = arith.constant 16 : i32
    "tpu.region"() ({
      %run_scoped3A = tpu.sem_alloc : memref<!tpu.dma_semaphore, #tpu.memory_space<semaphore_mem>>
      %dma_start3A = tpu.memref_slice %arg4[%select_n3A, %select_n3A_34] : memref<4x2048xf32, #tpu.memory_space<hbm>> -> memref<1x256xf32, #tpu.memory_space<hbm>>
      %dma_start3A_41 = tpu.memref_squeeze %dma_start3A : memref<1x256xf32, #tpu.memory_space<hbm>> -> memref<256xf32, #tpu.memory_space<hbm>>
      %dma_start3A_42 = tpu.memref_slice %arg4[%select_n3A, %select_n3A_34] : memref<4x2048xf32, #tpu.memory_space<hbm>> -> memref<1x256xf32, #tpu.memory_space<hbm>>
      %dma_start3A_43 = tpu.memref_squeeze %dma_start3A_42 : memref<1x256xf32, #tpu.memory_space<hbm>> -> memref<256xf32, #tpu.memory_space<hbm>>
      tpu.enqueue_dma source(%arg9 : memref<256xf32, #tpu.memory_space<vmem>>) target(%dma_start3A_43 : memref<256xf32, #tpu.memory_space<hbm>>) target_semaphore(%run_scoped3A : memref<!tpu.dma_semaphore, #tpu.memory_space<semaphore_mem>>)
      %dma_wait3A = tpu.memref_slice %arg4[%select_n3A, %select_n3A_34] : memref<4x2048xf32, #tpu.memory_space<hbm>> -> memref<1x256xf32, #tpu.memory_space<hbm>>
      %dma_wait3A_44 = tpu.memref_squeeze %dma_wait3A : memref<1x256xf32, #tpu.memory_space<hbm>> -> memref<256xf32, #tpu.memory_space<hbm>>
      %dma_wait3A_45 = tpu.memref_slice %arg4[%select_n3A, %select_n3A_34] : memref<4x2048xf32, #tpu.memory_space<hbm>> -> memref<1x256xf32, #tpu.memory_space<hbm>>
      %dma_wait3A_46 = tpu.memref_squeeze %dma_wait3A_45 : memref<1x256xf32, #tpu.memory_space<hbm>> -> memref<256xf32, #tpu.memory_space<hbm>>
      tpu.wait_dma2 semaphore(%run_scoped3A : memref<!tpu.dma_semaphore, #tpu.memory_space<semaphore_mem>>) src(%arg9 : memref<256xf32, #tpu.memory_space<vmem>>) dst(%dma_wait3A_46 : memref<256xf32, #tpu.memory_space<hbm>>)
      tpu.yield
    }) : () -> ()
    "tpu.region"() ({
      %run_scoped3A = tpu.sem_alloc : memref<!tpu.dma_semaphore, #tpu.memory_space<semaphore_mem>>
      %dma_start3A = tpu.memref_slice %arg5[%select_n3A, %select_n3A_34] : memref<4x2048xf32, #tpu.memory_space<hbm>> -> memref<1x256xf32, #tpu.memory_space<hbm>>
      %dma_start3A_41 = tpu.memref_squeeze %dma_start3A : memref<1x256xf32, #tpu.memory_space<hbm>> -> memref<256xf32, #tpu.memory_space<hbm>>
      %dma_start3A_42 = tpu.memref_slice %arg5[%select_n3A, %select_n3A_34] : memref<4x2048xf32, #tpu.memory_space<hbm>> -> memref<1x256xf32, #tpu.memory_space<hbm>>
      %dma_start3A_43 = tpu.memref_squeeze %dma_start3A_42 : memref<1x256xf32, #tpu.memory_space<hbm>> -> memref<256xf32, #tpu.memory_space<hbm>>
      tpu.enqueue_dma source(%arg10 : memref<256xf32, #tpu.memory_space<vmem>>) target(%dma_start3A_43 : memref<256xf32, #tpu.memory_space<hbm>>) target_semaphore(%run_scoped3A : memref<!tpu.dma_semaphore, #tpu.memory_space<semaphore_mem>>)
      %dma_wait3A = tpu.memref_slice %arg5[%select_n3A, %select_n3A_34] : memref<4x2048xf32, #tpu.memory_space<hbm>> -> memref<1x256xf32, #tpu.memory_space<hbm>>
      %dma_wait3A_44 = tpu.memref_squeeze %dma_wait3A : memref<1x256xf32, #tpu.memory_space<hbm>> -> memref<256xf32, #tpu.memory_space<hbm>>
      %dma_wait3A_45 = tpu.memref_slice %arg5[%select_n3A, %select_n3A_34] : memref<4x2048xf32, #tpu.memory_space<hbm>> -> memref<1x256xf32, #tpu.memory_space<hbm>>
      %dma_wait3A_46 = tpu.memref_squeeze %dma_wait3A_45 : memref<1x256xf32, #tpu.memory_space<hbm>> -> memref<256xf32, #tpu.memory_space<hbm>>
      tpu.wait_dma2 semaphore(%run_scoped3A : memref<!tpu.dma_semaphore, #tpu.memory_space<semaphore_mem>>) src(%arg10 : memref<256xf32, #tpu.memory_space<vmem>>) dst(%dma_wait3A_46 : memref<256xf32, #tpu.memory_space<hbm>>)
      tpu.yield
    }) : () -> ()
    "tpu.region"() ({
      %run_scoped3A = tpu.sem_alloc : memref<!tpu.dma_semaphore, #tpu.memory_space<semaphore_mem>>
      %dma_start3A = tpu.memref_slice %arg6[%select_n3A, %select_n3A_34] : memref<4x2048xi32, #tpu.memory_space<hbm>> -> memref<1x256xi32, #tpu.memory_space<hbm>>
      %dma_start3A_41 = tpu.memref_squeeze %dma_start3A : memref<1x256xi32, #tpu.memory_space<hbm>> -> memref<256xi32, #tpu.memory_space<hbm>>
      %dma_start3A_42 = tpu.memref_slice %arg6[%select_n3A, %select_n3A_34] : memref<4x2048xi32, #tpu.memory_space<hbm>> -> memref<1x256xi32, #tpu.memory_space<hbm>>
      %dma_start3A_43 = tpu.memref_squeeze %dma_start3A_42 : memref<1x256xi32, #tpu.memory_space<hbm>> -> memref<256xi32, #tpu.memory_space<hbm>>
      tpu.enqueue_dma source(%arg11 : memref<256xi32, #tpu.memory_space<vmem>>) target(%dma_start3A_43 : memref<256xi32, #tpu.memory_space<hbm>>) target_semaphore(%run_scoped3A : memref<!tpu.dma_semaphore, #tpu.memory_space<semaphore_mem>>)
      %dma_wait3A = tpu.memref_slice %arg6[%select_n3A, %select_n3A_34] : memref<4x2048xi32, #tpu.memory_space<hbm>> -> memref<1x256xi32, #tpu.memory_space<hbm>>
      %dma_wait3A_44 = tpu.memref_squeeze %dma_wait3A : memref<1x256xi32, #tpu.memory_space<hbm>> -> memref<256xi32, #tpu.memory_space<hbm>>
      %dma_wait3A_45 = tpu.memref_slice %arg6[%select_n3A, %select_n3A_34] : memref<4x2048xi32, #tpu.memory_space<hbm>> -> memref<1x256xi32, #tpu.memory_space<hbm>>
      %dma_wait3A_46 = tpu.memref_squeeze %dma_wait3A_45 : memref<1x256xi32, #tpu.memory_space<hbm>> -> memref<256xi32, #tpu.memory_space<hbm>>
      tpu.wait_dma2 semaphore(%run_scoped3A : memref<!tpu.dma_semaphore, #tpu.memory_space<semaphore_mem>>) src(%arg11 : memref<256xi32, #tpu.memory_space<vmem>>) dst(%dma_wait3A_46 : memref<256xi32, #tpu.memory_space<hbm>>)
      tpu.yield
    }) : () -> ()
    "tpu.region"() ({
      %run_scoped3A = tpu.sem_alloc : memref<!tpu.dma_semaphore, #tpu.memory_space<semaphore_mem>>
      %dma_start3A = tpu.memref_slice %arg7[%select_n3A, %select_n3A_34] : memref<4x2048xi32, #tpu.memory_space<hbm>> -> memref<1x256xi32, #tpu.memory_space<hbm>>
      %dma_start3A_41 = tpu.memref_squeeze %dma_start3A : memref<1x256xi32, #tpu.memory_space<hbm>> -> memref<256xi32, #tpu.memory_space<hbm>>
      %dma_start3A_42 = tpu.memref_slice %arg7[%select_n3A, %select_n3A_34] : memref<4x2048xi32, #tpu.memory_space<hbm>> -> memref<1x256xi32, #tpu.memory_space<hbm>>
      %dma_start3A_43 = tpu.memref_squeeze %dma_start3A_42 : memref<1x256xi32, #tpu.memory_space<hbm>> -> memref<256xi32, #tpu.memory_space<hbm>>
      tpu.enqueue_dma source(%arg12 : memref<256xi32, #tpu.memory_space<vmem>>) target(%dma_start3A_43 : memref<256xi32, #tpu.memory_space<hbm>>) target_semaphore(%run_scoped3A : memref<!tpu.dma_semaphore, #tpu.memory_space<semaphore_mem>>)
      %dma_wait3A = tpu.memref_slice %arg7[%select_n3A, %select_n3A_34] : memref<4x2048xi32, #tpu.memory_space<hbm>> -> memref<1x256xi32, #tpu.memory_space<hbm>>
      %dma_wait3A_44 = tpu.memref_squeeze %dma_wait3A : memref<1x256xi32, #tpu.memory_space<hbm>> -> memref<256xi32, #tpu.memory_space<hbm>>
      %dma_wait3A_45 = tpu.memref_slice %arg7[%select_n3A, %select_n3A_34] : memref<4x2048xi32, #tpu.memory_space<hbm>> -> memref<1x256xi32, #tpu.memory_space<hbm>>
      %dma_wait3A_46 = tpu.memref_squeeze %dma_wait3A_45 : memref<1x256xi32, #tpu.memory_space<hbm>> -> memref<256xi32, #tpu.memory_space<hbm>>
      tpu.wait_dma2 semaphore(%run_scoped3A : memref<!tpu.dma_semaphore, #tpu.memory_space<semaphore_mem>>) src(%arg12 : memref<256xi32, #tpu.memory_space<vmem>>) dst(%dma_wait3A_46 : memref<256xi32, #tpu.memory_space<hbm>>)
      tpu.yield
    }) : () -> ()
    return
  }
}

module attributes {stable_mosaic.version = 14 : i64} {
  func.func @_logits_kernel(%arg0: i32, %arg1: memref<512x1024xf32, #tpu.memory_space<vmem>>, %arg2: memref<4x1024xf32, #tpu.memory_space<vmem>>, %arg3: memref<2x1024xf32, #tpu.memory_space<vmem>>, %arg4: memref<4x512xf32, #tpu.memory_space<vmem>>, %arg5: memref<3073x256xf32, #tpu.memory_space<vmem>>, %arg6: memref<1x256xf32, #tpu.memory_space<vmem>>, %arg7: memref<256x16xf32, #tpu.memory_space<vmem>>, %arg8: memref<16x1xf32, #tpu.memory_space<vmem>>, %arg9: memref<4x16x512xf32, #tpu.memory_space<vmem>>) attributes {dimension_semantics = [#tpu.dimension_semantics<arbitrary>], iteration_bounds = array<i64: 4>, scalar_prefetch = 0 : i64, scratch_operands = 0 : i64, tpu.core_type = #tpu.core_type<tc>, window_params = [{transform_indices = @transform_0, window_bounds = array<i64: 512, 1024>}, {pipeline_mode = #tpu.pipeline_mode<synchronous>, transform_indices = @transform_1, window_bounds = array<i64: 4, 1024>}, {pipeline_mode = #tpu.pipeline_mode<synchronous>, transform_indices = @transform_2, window_bounds = array<i64: 2, 1024>}, {transform_indices = @transform_3, window_bounds = array<i64: 4, 512>}, {pipeline_mode = #tpu.pipeline_mode<synchronous>, transform_indices = @transform_4, window_bounds = array<i64: 3073, 256>}, {pipeline_mode = #tpu.pipeline_mode<synchronous>, transform_indices = @transform_5, window_bounds = array<i64: 1, 256>}, {pipeline_mode = #tpu.pipeline_mode<synchronous>, transform_indices = @transform_6, window_bounds = array<i64: 256, 16>}, {pipeline_mode = #tpu.pipeline_mode<synchronous>, transform_indices = @transform_7, window_bounds = array<i64: 16, 1>}, {transform_indices = @transform_8, window_bounds = array<i64: 4, 16, 512>}]} {
    %get3A = arith.constant 0 : index
    %get3A_0 = arith.constant 0 : index
    %get3A_1 = vector.load %arg1[%get3A, %get3A_0] : memref<512x1024xf32, #tpu.memory_space<vmem>>, vector<512x1024xf32>
    %convert_element_type3A = arith.truncf %get3A_1 : vector<512x1024xf32> to vector<512x1024xbf16>
    %get3A_2 = arith.constant 1024 : index
    %get3A_3 = arith.constant 0 : index
    %get3A_4 = vector.load %arg5[%get3A_2, %get3A_3] : memref<3073x256xf32, #tpu.memory_space<vmem>>, vector<1024x256xf32>
    %convert_element_type3A_5 = arith.truncf %get3A_4 : vector<1024x256xf32> to vector<1024x256xbf16>
    %dot_general3A = arith.constant dense<0.000000e+00> : vector<512x256xf32>
    %dot_general3A_6 = tpu.matmul %convert_element_type3A, %convert_element_type3A_5, %dot_general3A {dimension_numbers = #tpu.dot_dimension_numbers<[1], [0], [0], [1], [0, 0, 1, 1], [], []>, transpose_lhs_hint = false} : vector<512x1024xbf16>, vector<1024x256xbf16>, vector<512x256xf32> -> vector<512x256xf32>
    %get3A_7 = arith.constant 0 : index
    %get3A_8 = arith.constant 0 : index
    %get3A_9 = vector.load %arg2[%get3A_7, %get3A_8] : memref<4x1024xf32, #tpu.memory_space<vmem>>, vector<4x1024xf32>
    %convert_element_type3A_10 = arith.truncf %get3A_9 : vector<4x1024xf32> to vector<4x1024xbf16>
    %get3A_11 = arith.constant 0 : index
    %get3A_12 = arith.constant 0 : index
    %get3A_13 = vector.load %arg5[%get3A_11, %get3A_12] : memref<3073x256xf32, #tpu.memory_space<vmem>>, vector<1024x256xf32>
    %convert_element_type3A_14 = arith.truncf %get3A_13 : vector<1024x256xf32> to vector<1024x256xbf16>
    %dot_general3A_15 = arith.constant dense<0.000000e+00> : vector<4x256xf32>
    %dot_general3A_16 = tpu.matmul %convert_element_type3A_10, %convert_element_type3A_14, %dot_general3A_15 {dimension_numbers = #tpu.dot_dimension_numbers<[1], [0], [0], [1], [0, 0, 1, 1], [], []>, transpose_lhs_hint = false} : vector<4x1024xbf16>, vector<1024x256xbf16>, vector<4x256xf32> -> vector<4x256xf32>
    %get3A_17 = arith.constant 0 : index
    %get3A_18 = arith.constant 0 : index
    %get3A_19 = vector.load %arg3[%get3A_17, %get3A_18] : memref<2x1024xf32, #tpu.memory_space<vmem>>, vector<2x1024xf32>
    %convert_element_type3A_20 = arith.truncf %get3A_19 : vector<2x1024xf32> to vector<2x1024xbf16>
    %get3A_21 = arith.constant 2048 : index
    %get3A_22 = arith.constant 0 : index
    %get3A_23 = vector.load %arg5[%get3A_21, %get3A_22] : memref<3073x256xf32, #tpu.memory_space<vmem>>, vector<1024x256xf32>
    %convert_element_type3A_24 = arith.truncf %get3A_23 : vector<1024x256xf32> to vector<1024x256xbf16>
    %dot_general3A_25 = arith.constant dense<0.000000e+00> : vector<2x256xf32>
    %dot_general3A_26 = tpu.matmul %convert_element_type3A_20, %convert_element_type3A_24, %dot_general3A_25 {dimension_numbers = #tpu.dot_dimension_numbers<[1], [0], [0], [1], [0, 0, 1, 1], [], []>, transpose_lhs_hint = false} : vector<2x1024xbf16>, vector<1024x256xbf16>, vector<2x256xf32> -> vector<2x256xf32>
    %get3A_27 = arith.constant 3072 : index
    %get3A_28 = arith.constant 0 : index
    %get3A_29 = vector.load %arg5[%get3A_27, %get3A_28] : memref<3073x256xf32, #tpu.memory_space<vmem>>, vector<1x256xf32>
    %get3A_30 = vector.shape_cast %get3A_29 : vector<1x256xf32> to vector<256xf32>
    %convert_element_type3A_31 = arith.truncf %get3A_30 : vector<256xf32> to vector<256xbf16>
    %convert_element_type3A_32 = arith.extf %convert_element_type3A_31 : vector<256xbf16> to vector<256xf32>
    %mul3A = arith.constant 512 : i32
    %mul3A_33 = arith.muli %arg0, %mul3A : i32
    %iota3A = tpu.iota {dimensions = array<i32: 0>} : vector<512x1xi32>
    %add3A = vector.broadcast %mul3A_33 : i32 to vector<512x1xi32>
    %add3A_34 = arith.addi %add3A, %iota3A : vector<512x1xi32>
    %ge3A = arith.constant 2032 : i32
    %ge3A_35 = vector.broadcast %ge3A : i32 to vector<512x1xi32>
    %ge3A_36 = arith.cmpi sge, %add3A_34, %ge3A_35 : vector<512x1xi32>
    %convert_element_type3A_37 = arith.extui %ge3A_36 : vector<512x1xi1> to vector<512x1xi32>
    %convert_element_type3A_38 = arith.sitofp %convert_element_type3A_37 : vector<512x1xi32> to vector<512x1xf32>
    %slice3A = vector.extract_strided_slice %dot_general3A_26 {offsets = [0, 0], sizes = [1, 256], strides = [1, 1]} : vector<2x256xf32> to vector<1x256xf32>
    %squeeze3A = vector.shape_cast %slice3A : vector<1x256xf32> to vector<256xf32>
    %broadcast_in_dim3A = vector.shape_cast %squeeze3A : vector<256xf32> to vector<1x256xf32>
    %slice3A_39 = vector.extract_strided_slice %dot_general3A_26 {offsets = [1, 0], sizes = [1, 256], strides = [1, 1]} : vector<2x256xf32> to vector<1x256xf32>
    %squeeze3A_40 = vector.shape_cast %slice3A_39 : vector<1x256xf32> to vector<256xf32>
    %slice3A_41 = vector.extract_strided_slice %dot_general3A_26 {offsets = [0, 0], sizes = [1, 256], strides = [1, 1]} : vector<2x256xf32> to vector<1x256xf32>
    %squeeze3A_42 = vector.shape_cast %slice3A_41 : vector<1x256xf32> to vector<256xf32>
    %sub3A = arith.subf %squeeze3A_40, %squeeze3A_42 : vector<256xf32>
    %broadcast_in_dim3A_43 = vector.shape_cast %sub3A : vector<256xf32> to vector<1x256xf32>
    %mul3A_44 = vector.broadcast %convert_element_type3A_38 : vector<512x1xf32> to vector<512x256xf32>
    %mul3A_45 = vector.broadcast %broadcast_in_dim3A_43 : vector<1x256xf32> to vector<512x256xf32>
    %mul3A_46 = arith.mulf %mul3A_44, %mul3A_45 : vector<512x256xf32>
    %add3A_47 = vector.broadcast %broadcast_in_dim3A : vector<1x256xf32> to vector<512x256xf32>
    %add3A_48 = arith.addf %add3A_47, %mul3A_46 : vector<512x256xf32>
    %add3A_49 = arith.addf %dot_general3A_6, %add3A_48 : vector<512x256xf32>
    %get3A_50 = arith.constant 0 : index
    %get3A_51 = arith.constant 0 : index
    %get3A_52 = vector.load %arg6[%get3A_50, %get3A_51] : memref<1x256xf32, #tpu.memory_space<vmem>>, vector<1x256xf32>
    %add3A_53 = vector.broadcast %get3A_52 : vector<1x256xf32> to vector<512x256xf32>
    %add3A_54 = arith.addf %add3A_49, %add3A_53 : vector<512x256xf32>
    %get3A_55 = arith.constant 0 : index
    %get3A_56 = arith.constant 0 : index
    %get3A_57 = vector.load %arg4[%get3A_55, %get3A_56] : memref<4x512xf32, #tpu.memory_space<vmem>>, vector<1x512xf32>
    %get3A_58 = vector.shape_cast %get3A_57 : vector<1x512xf32> to vector<512xf32>
    %slice3A_59 = vector.extract_strided_slice %dot_general3A_16 {offsets = [0, 0], sizes = [1, 256], strides = [1, 1]} : vector<4x256xf32> to vector<1x256xf32>
    %squeeze3A_60 = vector.shape_cast %slice3A_59 : vector<1x256xf32> to vector<256xf32>
    %broadcast_in_dim3A_61 = vector.shape_cast %squeeze3A_60 : vector<256xf32> to vector<1x256xf32>
    %add3A_62 = vector.broadcast %broadcast_in_dim3A_61 : vector<1x256xf32> to vector<512x256xf32>
    %add3A_63 = arith.addf %add3A_54, %add3A_62 : vector<512x256xf32>
    %broadcast_in_dim3A_64 = vector.shape_cast %get3A_58 : vector<512xf32> to vector<512x1xf32>
    %broadcast_in_dim3A_65 = vector.shape_cast %convert_element_type3A_32 : vector<256xf32> to vector<1x256xf32>
    %mul3A_66 = vector.broadcast %broadcast_in_dim3A_64 : vector<512x1xf32> to vector<512x256xf32>
    %mul3A_67 = vector.broadcast %broadcast_in_dim3A_65 : vector<1x256xf32> to vector<512x256xf32>
    %mul3A_68 = arith.mulf %mul3A_66, %mul3A_67 : vector<512x256xf32>
    %add3A_69 = arith.addf %add3A_63, %mul3A_68 : vector<512x256xf32>
    %mul3A_70 = arith.constant 0.00999999977 : f32
    %mul3A_71 = vector.broadcast %mul3A_70 : f32 to vector<512x256xf32>
    %mul3A_72 = arith.mulf %mul3A_71, %add3A_69 : vector<512x256xf32>
    %max3A = arith.maximumf %add3A_69, %mul3A_72 : vector<512x256xf32>
    %get3A_73 = arith.constant 0 : index
    %get3A_74 = arith.constant 0 : index
    %get3A_75 = vector.load %arg7[%get3A_73, %get3A_74] : memref<256x16xf32, #tpu.memory_space<vmem>>, vector<256x16xf32>
    %convert_element_type3A_76 = arith.truncf %get3A_75 : vector<256x16xf32> to vector<256x16xbf16>
    %convert_element_type3A_77 = arith.truncf %max3A : vector<512x256xf32> to vector<512x256xbf16>
    %dot_general3A_78 = arith.constant dense<0.000000e+00> : vector<16x512xf32>
    %dot_general3A_79 = tpu.matmul %convert_element_type3A_76, %convert_element_type3A_77, %dot_general3A_78 {dimension_numbers = #tpu.dot_dimension_numbers<[0], [1], [1], [0], [0, 1, 1, 0], [], []>, transpose_lhs_hint = false} : vector<256x16xbf16>, vector<512x256xbf16>, vector<16x512xf32> -> vector<16x512xf32>
    %get3A_80 = arith.constant 0 : index
    %get3A_81 = arith.constant 0 : index
    %get3A_82 = vector.load %arg8[%get3A_80, %get3A_81] : memref<16x1xf32, #tpu.memory_space<vmem>>, vector<16x1xf32>
    %add3A_83 = vector.broadcast %get3A_82 : vector<16x1xf32> to vector<16x512xf32>
    %add3A_84 = arith.addf %dot_general3A_79, %add3A_83 : vector<16x512xf32>
    %broadcast_in_dim3A_85 = vector.shape_cast %get3A_58 : vector<512xf32> to vector<1x512xf32>
    %mul3A_86 = vector.broadcast %broadcast_in_dim3A_85 : vector<1x512xf32> to vector<16x512xf32>
    %mul3A_87 = arith.mulf %add3A_84, %mul3A_86 : vector<16x512xf32>
    %swap3A = arith.constant 0 : index
    %swap3A_88 = arith.constant 0 : index
    %swap3A_89 = arith.constant 0 : index
    %swap3A_90 = vector.load %arg9[%swap3A, %swap3A_88, %swap3A_89] : memref<4x16x512xf32, #tpu.memory_space<vmem>>, vector<1x16x512xf32>
    %swap3A_91 = vector.shape_cast %swap3A_90 : vector<1x16x512xf32> to vector<16x512xf32>
    %swap3A_92 = vector.shape_cast %mul3A_87 : vector<16x512xf32> to vector<1x16x512xf32>
    tpu.vector_store %arg9[%swap3A, %swap3A_88, %swap3A_89], %swap3A_92 {strides = array<i32>} : memref<4x16x512xf32, #tpu.memory_space<vmem>>, vector<1x16x512xf32>,
    %get3A_93 = arith.constant 1 : index
    %get3A_94 = arith.constant 0 : index
    %get3A_95 = vector.load %arg4[%get3A_93, %get3A_94] : memref<4x512xf32, #tpu.memory_space<vmem>>, vector<1x512xf32>
    %get3A_96 = vector.shape_cast %get3A_95 : vector<1x512xf32> to vector<512xf32>
    %slice3A_97 = vector.extract_strided_slice %dot_general3A_16 {offsets = [1, 0], sizes = [1, 256], strides = [1, 1]} : vector<4x256xf32> to vector<1x256xf32>
    %squeeze3A_98 = vector.shape_cast %slice3A_97 : vector<1x256xf32> to vector<256xf32>
    %broadcast_in_dim3A_99 = vector.shape_cast %squeeze3A_98 : vector<256xf32> to vector<1x256xf32>
    %add3A_100 = vector.broadcast %broadcast_in_dim3A_99 : vector<1x256xf32> to vector<512x256xf32>
    %add3A_101 = arith.addf %add3A_54, %add3A_100 : vector<512x256xf32>
    %broadcast_in_dim3A_102 = vector.shape_cast %get3A_96 : vector<512xf32> to vector<512x1xf32>
    %broadcast_in_dim3A_103 = vector.shape_cast %convert_element_type3A_32 : vector<256xf32> to vector<1x256xf32>
    %mul3A_104 = vector.broadcast %broadcast_in_dim3A_102 : vector<512x1xf32> to vector<512x256xf32>
    %mul3A_105 = vector.broadcast %broadcast_in_dim3A_103 : vector<1x256xf32> to vector<512x256xf32>
    %mul3A_106 = arith.mulf %mul3A_104, %mul3A_105 : vector<512x256xf32>
    %add3A_107 = arith.addf %add3A_101, %mul3A_106 : vector<512x256xf32>
    %mul3A_108 = arith.constant 0.00999999977 : f32
    %mul3A_109 = vector.broadcast %mul3A_108 : f32 to vector<512x256xf32>
    %mul3A_110 = arith.mulf %mul3A_109, %add3A_107 : vector<512x256xf32>
    %max3A_111 = arith.maximumf %add3A_107, %mul3A_110 : vector<512x256xf32>
    %get3A_112 = arith.constant 0 : index
    %get3A_113 = arith.constant 0 : index
    %get3A_114 = vector.load %arg7[%get3A_112, %get3A_113] : memref<256x16xf32, #tpu.memory_space<vmem>>, vector<256x16xf32>
    %convert_element_type3A_115 = arith.truncf %get3A_114 : vector<256x16xf32> to vector<256x16xbf16>
    %convert_element_type3A_116 = arith.truncf %max3A_111 : vector<512x256xf32> to vector<512x256xbf16>
    %dot_general3A_117 = arith.constant dense<0.000000e+00> : vector<16x512xf32>
    %dot_general3A_118 = tpu.matmul %convert_element_type3A_115, %convert_element_type3A_116, %dot_general3A_117 {dimension_numbers = #tpu.dot_dimension_numbers<[0], [1], [1], [0], [0, 1, 1, 0], [], []>, transpose_lhs_hint = false} : vector<256x16xbf16>, vector<512x256xbf16>, vector<16x512xf32> -> vector<16x512xf32>
    %get3A_119 = arith.constant 0 : index
    %get3A_120 = arith.constant 0 : index
    %get3A_121 = vector.load %arg8[%get3A_119, %get3A_120] : memref<16x1xf32, #tpu.memory_space<vmem>>, vector<16x1xf32>
    %add3A_122 = vector.broadcast %get3A_121 : vector<16x1xf32> to vector<16x512xf32>
    %add3A_123 = arith.addf %dot_general3A_118, %add3A_122 : vector<16x512xf32>
    %broadcast_in_dim3A_124 = vector.shape_cast %get3A_96 : vector<512xf32> to vector<1x512xf32>
    %mul3A_125 = vector.broadcast %broadcast_in_dim3A_124 : vector<1x512xf32> to vector<16x512xf32>
    %mul3A_126 = arith.mulf %add3A_123, %mul3A_125 : vector<16x512xf32>
    %swap3A_127 = arith.constant 1 : index
    %swap3A_128 = arith.constant 0 : index
    %swap3A_129 = arith.constant 0 : index
    %swap3A_130 = vector.load %arg9[%swap3A_127, %swap3A_128, %swap3A_129] : memref<4x16x512xf32, #tpu.memory_space<vmem>>, vector<1x16x512xf32>
    %swap3A_131 = vector.shape_cast %swap3A_130 : vector<1x16x512xf32> to vector<16x512xf32>
    %swap3A_132 = vector.shape_cast %mul3A_126 : vector<16x512xf32> to vector<1x16x512xf32>
    tpu.vector_store %arg9[%swap3A_127, %swap3A_128, %swap3A_129], %swap3A_132 {strides = array<i32>} : memref<4x16x512xf32, #tpu.memory_space<vmem>>, vector<1x16x512xf32>,
    %get3A_133 = arith.constant 2 : index
    %get3A_134 = arith.constant 0 : index
    %get3A_135 = vector.load %arg4[%get3A_133, %get3A_134] : memref<4x512xf32, #tpu.memory_space<vmem>>, vector<1x512xf32>
    %get3A_136 = vector.shape_cast %get3A_135 : vector<1x512xf32> to vector<512xf32>
    %slice3A_137 = vector.extract_strided_slice %dot_general3A_16 {offsets = [2, 0], sizes = [1, 256], strides = [1, 1]} : vector<4x256xf32> to vector<1x256xf32>
    %squeeze3A_138 = vector.shape_cast %slice3A_137 : vector<1x256xf32> to vector<256xf32>
    %broadcast_in_dim3A_139 = vector.shape_cast %squeeze3A_138 : vector<256xf32> to vector<1x256xf32>
    %add3A_140 = vector.broadcast %broadcast_in_dim3A_139 : vector<1x256xf32> to vector<512x256xf32>
    %add3A_141 = arith.addf %add3A_54, %add3A_140 : vector<512x256xf32>
    %broadcast_in_dim3A_142 = vector.shape_cast %get3A_136 : vector<512xf32> to vector<512x1xf32>
    %broadcast_in_dim3A_143 = vector.shape_cast %convert_element_type3A_32 : vector<256xf32> to vector<1x256xf32>
    %mul3A_144 = vector.broadcast %broadcast_in_dim3A_142 : vector<512x1xf32> to vector<512x256xf32>
    %mul3A_145 = vector.broadcast %broadcast_in_dim3A_143 : vector<1x256xf32> to vector<512x256xf32>
    %mul3A_146 = arith.mulf %mul3A_144, %mul3A_145 : vector<512x256xf32>
    %add3A_147 = arith.addf %add3A_141, %mul3A_146 : vector<512x256xf32>
    %mul3A_148 = arith.constant 0.00999999977 : f32
    %mul3A_149 = vector.broadcast %mul3A_148 : f32 to vector<512x256xf32>
    %mul3A_150 = arith.mulf %mul3A_149, %add3A_147 : vector<512x256xf32>
    %max3A_151 = arith.maximumf %add3A_147, %mul3A_150 : vector<512x256xf32>
    %get3A_152 = arith.constant 0 : index
    %get3A_153 = arith.constant 0 : index
    %get3A_154 = vector.load %arg7[%get3A_152, %get3A_153] : memref<256x16xf32, #tpu.memory_space<vmem>>, vector<256x16xf32>
    %convert_element_type3A_155 = arith.truncf %get3A_154 : vector<256x16xf32> to vector<256x16xbf16>
    %convert_element_type3A_156 = arith.truncf %max3A_151 : vector<512x256xf32> to vector<512x256xbf16>
    %dot_general3A_157 = arith.constant dense<0.000000e+00> : vector<16x512xf32>
    %dot_general3A_158 = tpu.matmul %convert_element_type3A_155, %convert_element_type3A_156, %dot_general3A_157 {dimension_numbers = #tpu.dot_dimension_numbers<[0], [1], [1], [0], [0, 1, 1, 0], [], []>, transpose_lhs_hint = false} : vector<256x16xbf16>, vector<512x256xbf16>, vector<16x512xf32> -> vector<16x512xf32>
    %get3A_159 = arith.constant 0 : index
    %get3A_160 = arith.constant 0 : index
    %get3A_161 = vector.load %arg8[%get3A_159, %get3A_160] : memref<16x1xf32, #tpu.memory_space<vmem>>, vector<16x1xf32>
    %add3A_162 = vector.broadcast %get3A_161 : vector<16x1xf32> to vector<16x512xf32>
    %add3A_163 = arith.addf %dot_general3A_158, %add3A_162 : vector<16x512xf32>
    %broadcast_in_dim3A_164 = vector.shape_cast %get3A_136 : vector<512xf32> to vector<1x512xf32>
    %mul3A_165 = vector.broadcast %broadcast_in_dim3A_164 : vector<1x512xf32> to vector<16x512xf32>
    %mul3A_166 = arith.mulf %add3A_163, %mul3A_165 : vector<16x512xf32>
    %swap3A_167 = arith.constant 2 : index
    %swap3A_168 = arith.constant 0 : index
    %swap3A_169 = arith.constant 0 : index
    %swap3A_170 = vector.load %arg9[%swap3A_167, %swap3A_168, %swap3A_169] : memref<4x16x512xf32, #tpu.memory_space<vmem>>, vector<1x16x512xf32>
    %swap3A_171 = vector.shape_cast %swap3A_170 : vector<1x16x512xf32> to vector<16x512xf32>
    %swap3A_172 = vector.shape_cast %mul3A_166 : vector<16x512xf32> to vector<1x16x512xf32>
    tpu.vector_store %arg9[%swap3A_167, %swap3A_168, %swap3A_169], %swap3A_172 {strides = array<i32>} : memref<4x16x512xf32, #tpu.memory_space<vmem>>, vector<1x16x512xf32>,
    %get3A_173 = arith.constant 3 : index
    %get3A_174 = arith.constant 0 : index
    %get3A_175 = vector.load %arg4[%get3A_173, %get3A_174] : memref<4x512xf32, #tpu.memory_space<vmem>>, vector<1x512xf32>
    %get3A_176 = vector.shape_cast %get3A_175 : vector<1x512xf32> to vector<512xf32>
    %slice3A_177 = vector.extract_strided_slice %dot_general3A_16 {offsets = [3, 0], sizes = [1, 256], strides = [1, 1]} : vector<4x256xf32> to vector<1x256xf32>
    %squeeze3A_178 = vector.shape_cast %slice3A_177 : vector<1x256xf32> to vector<256xf32>
    %broadcast_in_dim3A_179 = vector.shape_cast %squeeze3A_178 : vector<256xf32> to vector<1x256xf32>
    %add3A_180 = vector.broadcast %broadcast_in_dim3A_179 : vector<1x256xf32> to vector<512x256xf32>
    %add3A_181 = arith.addf %add3A_54, %add3A_180 : vector<512x256xf32>
    %broadcast_in_dim3A_182 = vector.shape_cast %get3A_176 : vector<512xf32> to vector<512x1xf32>
    %broadcast_in_dim3A_183 = vector.shape_cast %convert_element_type3A_32 : vector<256xf32> to vector<1x256xf32>
    %mul3A_184 = vector.broadcast %broadcast_in_dim3A_182 : vector<512x1xf32> to vector<512x256xf32>
    %mul3A_185 = vector.broadcast %broadcast_in_dim3A_183 : vector<1x256xf32> to vector<512x256xf32>
    %mul3A_186 = arith.mulf %mul3A_184, %mul3A_185 : vector<512x256xf32>
    %add3A_187 = arith.addf %add3A_181, %mul3A_186 : vector<512x256xf32>
    %mul3A_188 = arith.constant 0.00999999977 : f32
    %mul3A_189 = vector.broadcast %mul3A_188 : f32 to vector<512x256xf32>
    %mul3A_190 = arith.mulf %mul3A_189, %add3A_187 : vector<512x256xf32>
    %max3A_191 = arith.maximumf %add3A_187, %mul3A_190 : vector<512x256xf32>
    %get3A_192 = arith.constant 0 : index
    %get3A_193 = arith.constant 0 : index
    %get3A_194 = vector.load %arg7[%get3A_192, %get3A_193] : memref<256x16xf32, #tpu.memory_space<vmem>>, vector<256x16xf32>
    %convert_element_type3A_195 = arith.truncf %get3A_194 : vector<256x16xf32> to vector<256x16xbf16>
    %convert_element_type3A_196 = arith.truncf %max3A_191 : vector<512x256xf32> to vector<512x256xbf16>
    %dot_general3A_197 = arith.constant dense<0.000000e+00> : vector<16x512xf32>
    %dot_general3A_198 = tpu.matmul %convert_element_type3A_195, %convert_element_type3A_196, %dot_general3A_197 {dimension_numbers = #tpu.dot_dimension_numbers<[0], [1], [1], [0], [0, 1, 1, 0], [], []>, transpose_lhs_hint = false} : vector<256x16xbf16>, vector<512x256xbf16>, vector<16x512xf32> -> vector<16x512xf32>
    %get3A_199 = arith.constant 0 : index
    %get3A_200 = arith.constant 0 : index
    %get3A_201 = vector.load %arg8[%get3A_199, %get3A_200] : memref<16x1xf32, #tpu.memory_space<vmem>>, vector<16x1xf32>
    %add3A_202 = vector.broadcast %get3A_201 : vector<16x1xf32> to vector<16x512xf32>
    %add3A_203 = arith.addf %dot_general3A_198, %add3A_202 : vector<16x512xf32>
    %broadcast_in_dim3A_204 = vector.shape_cast %get3A_176 : vector<512xf32> to vector<1x512xf32>
    %mul3A_205 = vector.broadcast %broadcast_in_dim3A_204 : vector<1x512xf32> to vector<16x512xf32>
    %mul3A_206 = arith.mulf %add3A_203, %mul3A_205 : vector<16x512xf32>
    %swap3A_207 = arith.constant 3 : index
    %swap3A_208 = arith.constant 0 : index
    %swap3A_209 = arith.constant 0 : index
    %swap3A_210 = vector.load %arg9[%swap3A_207, %swap3A_208, %swap3A_209] : memref<4x16x512xf32, #tpu.memory_space<vmem>>, vector<1x16x512xf32>
    %swap3A_211 = vector.shape_cast %swap3A_210 : vector<1x16x512xf32> to vector<16x512xf32>
    %swap3A_212 = vector.shape_cast %mul3A_206 : vector<16x512xf32> to vector<1x16x512xf32>
    tpu.vector_store %arg9[%swap3A_207, %swap3A_208, %swap3A_209], %swap3A_212 {strides = array<i32>} : memref<4x16x512xf32, #tpu.memory_space<vmem>>, vector<1x16x512xf32>,
    return
  }
  func.func @transform_0(%arg0: i32) -> (i32, i32) {
    %c0_i32 = arith.constant 0 : i32
    %c0_i32_0 = arith.constant 0 : i32
    return %arg0, %c0_i32 : i32, i32
  }
  func.func @transform_1(%arg0: i32) -> (i32, i32) {
    %c0_i32 = arith.constant 0 : i32
    %c0_i32_0 = arith.constant 0 : i32
    %c0_i32_1 = arith.constant 0 : i32
    return %c0_i32, %c0_i32_0 : i32, i32
  }
  func.func @transform_2(%arg0: i32) -> (i32, i32) {
    %c0_i32 = arith.constant 0 : i32
    %c0_i32_0 = arith.constant 0 : i32
    %c0_i32_1 = arith.constant 0 : i32
    return %c0_i32, %c0_i32_0 : i32, i32
  }
  func.func @transform_3(%arg0: i32) -> (i32, i32) {
    %c0_i32 = arith.constant 0 : i32
    %c0_i32_0 = arith.constant 0 : i32
    return %c0_i32, %arg0 : i32, i32
  }
  func.func @transform_4(%arg0: i32) -> (i32, i32) {
    %c0_i32 = arith.constant 0 : i32
    %c0_i32_0 = arith.constant 0 : i32
    %c0_i32_1 = arith.constant 0 : i32
    return %c0_i32, %c0_i32_0 : i32, i32
  }
  func.func @transform_5(%arg0: i32) -> (i32, i32) {
    %c0_i32 = arith.constant 0 : i32
    %c0_i32_0 = arith.constant 0 : i32
    %c0_i32_1 = arith.constant 0 : i32
    return %c0_i32, %c0_i32_0 : i32, i32
  }
  func.func @transform_6(%arg0: i32) -> (i32, i32) {
    %c0_i32 = arith.constant 0 : i32
    %c0_i32_0 = arith.constant 0 : i32
    %c0_i32_1 = arith.constant 0 : i32
    return %c0_i32, %c0_i32_0 : i32, i32
  }
  func.func @transform_7(%arg0: i32) -> (i32, i32) {
    %c0_i32 = arith.constant 0 : i32
    %c0_i32_0 = arith.constant 0 : i32
    %c0_i32_1 = arith.constant 0 : i32
    return %c0_i32, %c0_i32_0 : i32, i32
  }
  func.func @transform_8(%arg0: i32) -> (i32, i32, i32) {
    %c0_i32 = arith.constant 0 : i32
    %c0_i32_0 = arith.constant 0 : i32
    %c0_i32_1 = arith.constant 0 : i32
    return %c0_i32, %c0_i32_0, %arg0 : i32, i32, i32
  }
}

</mosaic_0001>

<sc_bundles>
// kernel: kernel.4.cloned.1.call-start
scs
__scs_entry_jumppad:
0x0: {  	(pc) =	sbr.rel $0x88, $3  }
0x1: {  	(tag) =	ssettag $0x0;
	lr =	simm.s32 $0x1  }
0x2: {  	[smem:$0x3F99] =	sst lr;
	_ =	strace $0xD0000000  }
0x3: {  	_ = 	snop  }
0x4: {  	_ = 	snop  }
0x5: {  	_ = 	snop  }
0x6: {  	_ = 	snop  }
0x7: {  	_ = 	snop  }
__scs_overlays_trampoline_lowered:
0x8: {  	[smem:$0x3FA8] =	sst s0  }
0x9: {  	[smem:$0x3FA9] =	sst s1  }
0xa: {  	[smem:$0x3FAA] =	sst s2  }
0xb: {  	[smem:$0x3FAB] =	sst s3  }
0xc: {  	[smem:$0x3FAC] =	sst s4  }
0xd: {  	[smem:$0x3FAD] =	sst s5  }
0xe: {  	[smem:$0x3FAE] =	sst s6  }
0xf: {  	[smem:$0x3FAF] =	sst s7  }
0x10: {  	[smem:$0x3FB0] =	sst s8  }
0x11: {  	[smem:$0x3FB1] =	sst s9;
	s0 =	simm.s32 @!p0 $0x0  }
0x12: {  	s1 =	sld [smem:$0x3F97];
	s0 =	simm.s32 @p0 $0x1  }
0x13: {  	[smem:$0x3FB2] =	sst s0;
	s0 =	simm.s32 @!p1 $0x0  }
0x14: {  	s2 =	sld [smem:$0x3F96];
	s0 =	simm.s32 @p1 $0x1  }
0x15: {  	[smem:$0x3FB3] =	sst s0;
	s0 =	simm.s32 @!p2 $0x0  }
0x16: {  	s3 =	sld [smem:$0x3FDB];
	s0 =	simm.s32 @p2 $0x1  }
0x17: {  	s4 =	simm.s32 $0x1BF5;
	[smem:$0x3FB5] =	sst s0  }
0x18: {  	s0 =	sld [smem:$0x3F98];
	_ =	swait.ge [sflag:s4], $0x0  }
0x19: {  	s7 =	sld [smem:$0x3F99]  }
0x1a: {  	s8 =	sadd.s32 $0xFFFFE003, lr  }
0x1b: {  	s9 =	sadd.s32 $0xFFFFFEF7, lr;
	s5 =	simm.s32 $0xFFFFFFFF;
	p2 =	slt.u32 s8, $0xFFFFF086  }
0x1c: {  	p1 =	slt.u32 s9, $0xF7A;
	s5 =	simm.s32 @!p2 $0x0  }
0x1d: {  	s5 =	simm.s32 @p1 $0x1;
	p0 =	seq.s32 s7, s2  }
0x1e: {  	s7 =	smul.u32 @!p0 $0xF7A, s2;
	p2 =	seq.s32 @!p0 s5, $0x0  }
0x1f: {  	s9 =	smul.u32 $0xF7A, s1;
	s8 =	simm.s32 @!p0 $0x1BF5;
	p2 =	por !p2, p0  }
0x20: {  	[sflag:s8] =	ssyncset.s32 @!p0 $0xFFFFF086;
	s6 =	sadd.s32 @!p0 s3, s7;
	s7 =	simm.s32 @!p0 $0x108  }
0x21: {  	s3 =	sadd.s32 s3, s9;
	s6 =	sadd.s32 @!p0 $0x88, s6;
	s7 =	simm.s32 @p2 $0x1082  }
0x22: {  	[simem:s7], [sflag:s8] =	dma.local @!p0 [hbm:s6], $0xF7A  }
0x23: {  	s9 =	sor.u32 $0xD0000000, s2;
	s6 =	simm.s32 $0x108;
	_ =	swait.ge @!p0 [sflag:s8], $0x0  }
0x24: {  	s3 =	sadd.s32 $0x88, s3;
	s6 =	simm.s32 @!p1 $0x1082;
	[sflag:s4] =	ssyncset.s32 $0xFFFFF086  }
0x25: {  	[simem:s6], [sflag:s4] =	dma.local [hbm:s3], $0xF7A  }
0x26: {  	[smem:$0x3F99] =	sst s1;
	(tag) =	ssettag s2;
	_ =	strace s9  }
0x27: {  	s1 =	sld [smem:$0x3FA9]  }
0x28: {  	s2 =	sld [smem:$0x3FAA]  }
0x29: {  	s4 =	sld [smem:$0x3FAC]  }
0x2a: {  	p0 =	seq.s32 s5, $0x0;
	s5 =	sld [smem:$0x3FAD]  }
0x2b: {  	s6 =	sld [smem:$0x3FAE]  }
0x2c: {  	s7 =	sld [smem:$0x3FAF]  }
0x2d: {  	s3 =	simm.s32 $0x108;
	s8 =	sld [smem:$0x3FB0]  }
0x2e: {  	s3 =	simm.s32 @!p0 $0x1082;
	s9 =	sld [smem:$0x3FB1]  }
0x2f: {  	lr =	sadd.s32 s0, s3;
	s0 =	sld [smem:$0x3FA8]  }
0x30: {  	s3 =	sld [smem:$0x3FAB]  }
0x31: {  	[smem:$0x3FB4] =	sst s10  }
0x32: {  	s10 =	sld [smem:$0x3FB2];
	_ =	sdelay $0x3  }
0x33: {  	p0 =	seq.s32 s10, $0x1;
	s10 =	sld [smem:$0x3FB4];
	_ =	sdelay $0x3  }
0x34: {  	[smem:$0x3FB4] =	sst s10  }
0x35: {  	s10 =	sld [smem:$0x3FB3];
	_ =	sdelay $0x3  }
0x36: {  	p1 =	seq.s32 s10, $0x1;
	s10 =	sld [smem:$0x3FB4];
	_ =	sdelay $0x3  }
0x37: {  	[smem:$0x3FB4] =	sst s10  }
0x38: {  	s10 =	sld [smem:$0x3FB5]  }
0x39: {  	_ = 	snop;
	(pc) =	sbr.ind lr, $3  }
0x3a: {  	_ = 	snop  }
0x3b: {  	_ = 	snop  }
0x3c: {  	p2 =	seq.s32 s10, $0x1;
	s10 =	sld [smem:$0x3FB4]  }
0x3d: {  	_ =	shalt  }
0x3e: {  	_ =	shalt  }
0x3f: {  	_ =	shalt  }
0x40: {  	_ =	shalt  }
0x41: {  	_ =	shalt  }
0x42: {  	_ =	shalt  }
0x43: {  	_ =	shalt  }
0x44: {  	_ =	shalt  }
0x45: {  	_ =	shalt  }
0x46: {  	_ =	shalt  }
0x47: {  	_ =	shalt  }
0x48: {  	_ =	shalt  }
0x49: {  	_ =	shalt  }
0x4a: {  	_ =	shalt  }
0x4b: {  	_ =	shalt  }
0x4c: {  	_ =	shalt  }
0x4d: {  	_ =	shalt  }
0x4e: {  	_ =	shalt  }
0x4f: {  	_ =	shalt  }
0x50: {  	_ =	shalt  }
0x51: {  	_ =	shalt  }
0x52: {  	_ =	shalt  }
0x53: {  	_ =	shalt  }
0x54: {  	_ =	shalt  }
0x55: {  	_ =	shalt  }
0x56: {  	_ =	shalt  }
0x57: {  	_ =	shalt  }
0x58: {  	_ =	shalt  }
0x59: {  	_ =	shalt  }
0x5a: {  	_ =	shalt  }
0x5b: {  	_ =	shalt  }
0x5c: {  	_ =	shalt  }
0x5d: {  	_ =	shalt  }
0x5e: {  	_ =	shalt  }
0x5f: {  	_ =	shalt  }
0x60: {  	_ =	shalt  }
0x61: {  	_ =	shalt  }
0x62: {  	_ =	shalt  }
0x63: {  	_ =	shalt  }
0x64: {  	_ =	shalt  }
0x65: {  	_ =	shalt  }
0x66: {  	_ =	shalt  }
0x67: {  	_ =	shalt  }
0x68: {  	_ =	shalt  }
0x69: {  	_ =	shalt  }
0x6a: {  	_ =	shalt  }
0x6b: {  	_ =	shalt  }
0x6c: {  	_ =	shalt  }
0x6d: {  	_ =	shalt  }
0x6e: {  	_ =	shalt  }
0x6f: {  	_ =	shalt  }
0x70: {  	_ =	shalt  }
0x71: {  	_ =	shalt  }
0x72: {  	_ =	shalt  }
0x73: {  	_ =	shalt  }
0x74: {  	_ =	shalt  }
0x75: {  	_ =	shalt  }
0x76: {  	_ =	shalt  }
0x77: {  	_ =	shalt  }
0x78: {  	_ =	shalt  }
0x79: {  	_ =	shalt  }
0x7a: {  	_ =	shalt  }
0x7b: {  	_ =	shalt  }
0x7c: {  	_ =	shalt  }
0x7d: {  	_ =	shalt  }
0x7e: {  	_ =	shalt  }
0x7f: {  	_ =	shalt  }
0x80: {  	_ =	shalt  }
0x81: {  	_ =	shalt  }
0x82: {  	_ =	shalt  }
0x83: {  	_ =	shalt  }
0x84: {  	_ =	shalt  }
0x85: {  	_ =	shalt  }
0x86: {  	_ =	shalt  }
0x87: {  	_ =	shalt  }
.Lfunc_end0:
.L_simem_size_0:
called_computation_lowered:
.L_overlay_start_0:
0x88: {  	s2 =	sld [smem:$0x3FD9]  }
0x89: {  	s3 =	sld [smem:$0x3FFE];
	_ =	sdelay $0x1  }
0x8a: {  	s1 =	srdreg.scid  }
0x8b: {  	s0 =	sand.u32 $0x1, s1  }
0x8c: {  	s14 =	sshll.u32 s0, $0xA;
	s2 =	sadd.s32 s3, s2  }
0x8d: {  	s2 =	sadd.s32 s2, s14  }
0x8e: {  	[smem:$0x3FC0] =	sst s2  }
0x8f: {  	_ = 	snop  }
0x90: {  	s2 =	sld [smem:$0x3FD0];
	_ =	sdelay $0x2  }
0x91: {  	s15 =	simm.s32 $0xA;
	s4 =	simm.s32 $0x10  }
0x92: {  	[smem:s4], [sflag:s15] =	dma.local [hbm:s2], $0x1  }
0x93: {  	_ =	swait.eq [sflag:s15], $0x1  }
0x94: {  	s16 =	sld [smem:$0x10];
	[sflag:s15] =	ssyncset.done $0x0  }
0x95: {  	s17 =	sld [smem:$0x11];
	[sflag:s15] =	ssyncadd.s32 $0xFFFFFFFF  }
0x96: {  	s18 =	sld [smem:$0x12];
	(tm) =	ssettm $0x1  }
0x97: {  	s5 =	sld [smem:$0x3FFB];
	_ =	sdelay $0x3  }
0x98: {  	_ =	strace s5  }
0x99: {  	s5 =	sld [smem:$0x3FFC];
	_ =	sdelay $0x3  }
0x9a: {  	_ =	strace s5  }
0x9b: {  	s5 =	sld [smem:$0x3FFD];
	_ =	sdelay $0x3  }
0x9c: {  	_ =	strace s5  }
0x9d: {  	_ =	strace $0x8FFFFFFF  }
0x9e: {  	s19 =	sld [smem:$0x3FDB];
	_ =	sdelay $0x1  }
0x9f: {  	s6 =	simm.s32 $_scs_section_size  }
0xa0: {  	s7 =	simm.s32 $_size__tile_overlayer_lowered;
	s8 =	simm.s32 $_tile_overlayer_lowered  }
0xa1: {  	s22 =	simm.s32 $0x1BFF;
	s21 =	sshll.u32 s8, $0x1;
	s5 =	sadd.s32 s6, s19  }
0xa2: {  	s9 =	simm.s32 $0x0;
	s20 =	sshll.u32 s7, $0x1;
	s7 =	sadd.s32 s21, s5  }
0xa3: {  	[timem:s9], [sflag:s22] =	dma.local [hbm:s7], s20  }
0xa4: {  	_ =	swait.ge [sflag:s22], s20  }
0xa5: {  	s6 =	ssub.s32 $0x0, s20;
	[sflag:s22] =	ssyncset.done $0x0  }
0xa6: {  	[sflag:s22] =	ssyncadd.s32 s6;
	_ =	sdelay $0x1  }
0xa7: {  	s23 =	simm.s32 $0x1B8B  }
0xa8: {  	_ =	swait.ge [sflag:s23], $0x1  }
0xa9: {  	[sflag:s23] =	ssyncset.done $0x0  }
0xaa: {  	s25 =	simm.s32 $0x1B8E;
	s24 =	sld [smem:$0x3FFE];
	[sflag:s23] =	ssyncadd.s32 $0xFFFFFFFF  }
0xab: {  	s26 =	simm.s32 $execute0_lowered;
	[smem:$0x3FD2] =	sst s25  }
0xac: {  	s7 =	sshll.u32 s26, $0x1;
	_ =	strace $0x80000046;
	[dreg:$0x1] =	wrdreg $0xFFFFFFFF  }
0xad: {  	s28 =	simm.s32 $_size_execute0_lowered;
	s5 =	sadd.s32 s5, s7;
	[dreg:$0x0] =	wrdreg $0x0  }
0xae: {  	s7 =	sshll.u32 s28, $0x1;
	[dreg:$0x2] =	wrdreg s5  }
0xaf: {  	[dreg:$0x3] =	wrdreg s7  }
0xb0: {  	[dreg:$0x4] =	wrdreg $0xC0  }
0xb1: {  	_ =	task [dreg:s9], $0x5FFFF  }
0xb2: {  	[dreg:$0x1] =	wrdreg $0xFFFFFFFF  }
0xb3: {  	[dreg:$0x0] =	wrdreg $0x60  }
0xb4: {  	[dreg:$0x2] =	wrdreg s24  }
0xb5: {  	[dreg:$0x3] =	wrdreg s18  }
0xb6: {  	[dreg:$0x4] =	wrdreg s16  }
0xb7: {  	[dreg:$0x5] =	wrdreg s17  }
0xb8: {  	[dreg:$0x6] =	wrdreg $0x9  }
0xb9: {  	_ =	task.clear_ibuf [dreg:s9], $0x7FFFF;
	_ =	strace $0x90000046  }
0xba: {  	s29 =	simm.s32 $0x9;
	_ =	strace $0x80000048  }
0xbb: {  	_ =	swait.ge [sflag:s29], $0x1  }
0xbc: {  	[sflag:s29] =	ssyncadd.s32 $0xFFFFFFFF  }
0xbd: {  	_ =	strace $0x90000048  }
0xbe: {  	_ =	sfence  }
0xbf: {  	s30 =	sld [smem:$0x0];
	_ =	sdelay $0x2  }
0xc0: {  	s31 =	sshll.u32 s1, $0xD;
	s1 =	sshrl.u32 s1, $0x2  }
0xc1: {  	s3 =	sand.u32 $0x4000, s31;
	s1 =	sadd.s32 s1, s30  }
0xc2: {  	s0 =	sor.u32 s3, s0;
	s1 =	sshll.u32 s1, $0x11  }
0xc3: {  	s0 =	sor.u32 s1, s0  }
0xc4: {  	s0 =	sadd.s32 $0x8F2B, s0  }
0xc5: {  	[sflag:s0] =	ssyncadd.remote.s32 $0x1  }
0xc6: {  	_ =	sfence.sel $0xFFFF  }
0xc7: {  	[dreg:$0x0] =	wrdreg $0xFFFFFFFF;
	(pc) =	sbr.abs _section_cstart, $3  }
0xc8: {  	[dreg:$0x1] =	wrdreg $0xFFFFFFFF  }
0xc9: {  	_ =	task.clear_ibuf [dreg:s9], $0x2FFFF;
	_ =	strace $0x9FFFFFFF  }
0xca: {  	(tm) =	ssettm $0x7FFFFFFF  }
0xcb: {  	_ =	shalt  }
tec
execute0_lowered:
.L_overlay_start_1:
0x0: {  	(tag) =	ssettag $0x1  }
0x1: {  	s0 =	rddreg [dreg:$0x0]  }
0x2: {  	s2 =	rddreg [dreg:$0x2]  }
0x3: {  	s7 =	rddreg [dreg:$0x3];
	s3 =	simm.s32 $0x0;
	s1 =	stileid.u32  }
0x4: {  	s4 =	srdreg.scid;
	s11 =	simm.s32 $0x1;
	s12 =	simm.s32 $0x800  }
0x5: {  	s13 =	simm.s32 $0x4000;
	s14 =	simm.s32 $0x80;
	s15 =	simm.s32 $0x200  }
0x6: {  	s16 =	simm.s32 $0x1000;
	s17 =	simm.s32 $0x1100;
	s18 =	simm.s32 $0x1200  }
0x7: {  	s19 =	simm.s32 $0x1300;
	s20 =	simm.s32 $0x0;
	[smem:$0x7FF] =	sst s3  }
0x8: {  	s4 =	sand.u32 $0x1, s4;
	s5 =	sshll.u32 s1, $0x2;
	s6 =	sshrl.u32 s1, $0x2  }
0x9: {  	s8 =	sshll.u32 s4, $0x1;
	s5 =	sand.u32 $0xC, s5;
	_ =	strace $0x80000047  }
0xa: {  	s9 =	sshll.u32 s6, $0xC;
	s6 =	sshll.u32 s6, $0x4;
	s5 =	sor.u32 s8, s5  }
0xb: {  	s4 =	ssub.s32 $0x2, s4;
	s29 =	sadd.s32 s9, s0;
	s30 =	sshll.u32 s5, $0x6  }
0xc: {  	s31 =	sshrl.u32 s4, $0x1;
	s5 =	sshll.u32 s5, $0x7;
	s9 =	sor.u32 s6, s30  }
0xd: {  	s10 =	ssub.s32 s4, s31;
	s5 =	sadd.s32 s5, s29;
	s0 =	sadd.s32 s9, s0  }
0xe: {  	s4 =	sadd.s32 $0x1600, s5;
	s5 =	sadd.s32 s2, s9;
	s7 =	sadd.s32 s7, s9  }
0xf: {  	v0 =	vimm.s32 $0x0;
	s9 =	smax.u32 s10, $0x1;
	s6 =	sadd.s32 $0x5A00, s0;
	s8 =	sadd.s32 $0x5600, s0  }
.LBB2_1:
0x10: {  	s0 =	rddreg [dreg:$0x1];
	s1 =	simm.s32 $0x1400  }
0x11: {  	[tilespmem:s1], [sflag:$0x1] =	stream.linear.gather [hbm4b:s0+s3], $0x1, $0x38;
	[tilespmem:$0x1480] =	vst v63  }
0x12: {  	_ =	swait.ge [sflag:s11], $0x1  }
0x13: {  	[sflag:s11] =	ssyncset.done $0x0  }
0x14: {  	[sflag:s11] =	ssyncadd.s32 $0xFFFFFFFF  }
0x15: {  	v1 =	vld.msk [tilespmem:$0x1400 ss:$0x0], $0xffff;
	[tilespmem:s3], [sflag:$0x1] =	stream.strided.gather [hbm4b:s4+s12], $0x1000, s13, s12, $0x38  }
0x16: {  	_ =	swait.ge [sflag:s11], $0x1000  }
0x17: {  	s25 =	sand.u32 $0x70, s3;
	s2 =	sand.u32 $0x400, s3;
	[sflag:s11] =	ssyncset.done $0x0  }
0x18: {  	s0 =	sor.u32 s25, s2;
	[sflag:s11] =	ssyncadd.s32 $0xFFFFF000  }
0x19: {  	v3 =	vld [tilespmem:s0+$0x0]  }
0x1a: {  	v4 =	vld [tilespmem:s0+$0x80]  }
0x1b: {  	v6 =	vld [tilespmem:s0+$0x100]  }
0x1c: {  	v7 =	vld [tilespmem:s0+$0x180]  }
0x1d: {  	v30 =	vld [tilespmem:s0+$0x280]  }
0x1e: {  	v31 =	vld [tilespmem:s0+$0x300]  }
0x1f: {  	v33 =	vld [tilespmem:s0+$0x380]  }
0x20: {  	v41 =	vimm.s32 $0x0;
	v12 =	vld [tilespmem:s0+$0x800]  }
0x21: {  	v46 =	vimm.s32 $0x0;
	v37 =	vld [tilespmem:s0+$0x880];
	v2 =	vxor.u32 $0xFFFFFFFF, v1;
	v5 =	vshra.s32 v3, $0x1F  }
0x22: {  	v49 =	vimm.s32 $0x0;
	v39 =	vld [tilespmem:s0+$0x900];
	v8 =	vshra.s32 v4, $0x1F;
	v5 =	vand.u32 v2, v5  }
0x23: {  	v14 =	vld [tilespmem:s0+$0x980];
	v9 =	vshra.s32 v6, $0x1F;
	v10 =	vshra.s32 v7, $0x1F;
	v3 =	vxor.u32 v5, v3  }
0x24: {  	v32 =	vshra.s32 v30, $0x1F;
	v5 =	vand.u32 v2, v8;
	vm0 =	vgt.s32 v3, v1  }
0x25: {  	v45 =	vld [tilespmem:s0+$0xA00];
	v34 =	vshra.s32 v31, $0x1F;
	v4 =	vxor.u32 v5, v4;
	v28 =	vsel vm0, v3, v1  }
0x26: {  	v35 =	vshra.s32 v33, $0x1F;
	v13 =	vshra.s32 v12, $0x1F;
	vm0 =	vle.s32 v4, v28  }
0x27: {  	v15 =	vshra.s32 v37, $0x1F;
	v43 =	vshra.s32 v39, $0x1F;
	v3 =	vsel vm0, v4, v3  }
0x28: {  	v44 =	vshra.s32 v14, $0x1F;
	v9 =	vand.u32 v2, v9;
	v5 =	vld [tilespmem:s0+$0x200];
	vm1 =	vgt.s32 v3, v1  }
0x29: {  	v6 =	vxor.u32 v9, v6;
	vm2 =	vgt.s32 v4, v28;
	v3 =	vsel vm1, v3, v1  }
0x2a: {  	v52 =	vshra.s32 v45, $0x1F;
	v8 =	vsel vm2, v4, v28;
	vm7 =	vgt.s32 v6, v3  }
0x2b: {  	v29 =	vand.u32 v2, v10;
	vm12 =	vgt.s32 v6, v8;
	v3 =	vsel vm7, v6, v3  }
0x2c: {  	v7 =	vxor.u32 v29, v7;
	vm8 =	vgt.s32 v4, v1;
	v3 =	vsel vm12, v8, v3  }
0x2d: {  	v4 =	vshra.s32 v5, $0x1F;
	v6 =	vsel vm12, v6, v8;
	vm14 =	vgt.s32 v7, v3  }
0x2e: {  	v4 =	vand.u32 v2, v4;
	vm11 =	vgt.s32 v7, v6;
	v3 =	vsel vm14, v7, v3  }
0x2f: {  	v36 =	vand.u32 v2, v35;
	v4 =	vxor.u32 v4, v5;
	v3 =	vsel vm11, v6, v3  }
0x30: {  	v38 =	vand.u32 v2, v13;
	v6 =	vsel vm11, v7, v6;
	vm13 =	vgt.s32 v4, v3  }
0x31: {  	v5 =	vand.u32 v2, v32;
	vm4 =	vgt.s32 v4, v6;
	v3 =	vsel vm13, v4, v3  }
0x32: {  	v40 =	vand.u32 v2, v15;
	v5 =	vxor.u32 v5, v30;
	v3 =	vsel vm4, v6, v3  }
0x33: {  	vm0 =	vmand vm0, vm8;
	v4 =	vsel vm4, v4, v6;
	vm8 =	vgt.s32 v5, v3  }
0x34: {  	v6 =	vand.u32 v2, v34;
	vm5 =	vgt.s32 v5, v4;
	v3 =	vsel vm8, v5, v3  }
0x35: {  	v47 =	vand.u32 v2, v43;
	v6 =	vxor.u32 v6, v31;
	v3 =	vsel vm5, v4, v3  }
0x36: {  	v50 =	vand.u32 v2, v44;
	v4 =	vsel vm5, v5, v4;
	vm9 =	vgt.s32 v6, v3  }
0x37: {  	v7 =	vsel vm2, $0x1, v0;
	vm2 =	vgt.s32 v6, v4;
	v3 =	vsel vm9, v6, v3  }
0x38: {  	v9 =	vxor.u32 v38, v12;
	v8 =	vxor.u32 v36, v33;
	v3 =	vsel vm2, v4, v3  }
0x39: {  	v10 =	vxor.u32 v40, v37;
	v4 =	vsel vm2, v6, v4;
	vm10 =	vgt.s32 v8, v3  }
0x3a: {  	v11 =	vsel vm0, $0x1, v0;
	vm3 =	vgt.s32 v8, v4;
	v3 =	vsel vm10, v8, v3  }
0x3b: {  	v48 =	vxor.u32 v47, v39;
	v42 =	vsel vm7, $0x2, v11;
	v3 =	vsel vm3, v4, v3  }
0x3c: {  	v5 =	vimm.s32 $0x0;
	v4 =	vsel vm3, v8, v4;
	vm15 =	vgt.s32 v9, v3  }
0x3d: {  	v5 =	vsel vm9, $0xFFFFFFFF, v5;
	vm7 =	vgt.s32 v9, v4;
	v3 =	vsel vm15, v9, v3  }
0x3e: {  	v11 =	vand.u32 v2, v52;
	[tilespmem:$0x1FFB0] =	vst v5;
	v5 =	vsel vm12, $0x2, v7;
	v3 =	vsel vm7, v4, v3  }
0x3f: {  	v6 =	vimm.s32 $0x0;
	v4 =	vsel vm7, v9, v4;
	vm6 =	vgt.s32 v10, v3  }
0x40: {  	v7 =	vsel vm12, v7, v42;
	vm9 =	vgt.s32 v10, v4;
	v3 =	vsel vm6, v10, v3  }
0x41: {  	v7 =	vsel vm14, $0x3, v7;
	v6 =	vsel vm10, $0xFFFFFFFF, v6;
	v3 =	vsel vm9, v4, v3  }
0x42: {  	v51 =	vld [tilespmem:s0+$0xA80];
	[tilespmem:$0x1FFC0] =	vst v6;
	v9 =	vsel vm6, $0xFFFFFFFF, v46;
	v4 =	vsel vm9, v10, v4;
	vm10 =	vgt.s32 v48, v3  }
0x43: {  	[tilespmem:$0x1FFE0] =	vst v9;
	vm14 =	vgt.s32 v48, v4;
	v9 =	vsel vm10, $0xFFFFFFFF, v49;
	v3 =	vsel vm10, v48, v3  }
0x44: {  	v6 =	vsel vm11, $0x3, v5;
	[tilespmem:$0x1FFF0] =	vst v9;
	v9 =	vxor.u32 v50, v14;
	v3 =	vsel vm14, v4, v3  }
0x45: {  	v8 =	vsel vm15, $0xFFFFFFFF, v41;
	v4 =	vsel vm14, v48, v4;
	vm15 =	vgt.s32 v9, v3  }
0x46: {  	v5 =	vsel vm11, v5, v7;
	v7 =	vld [tilespmem:s0+$0xB00];
	vm11 =	vgt.s32 v9, v4;
	v3 =	vsel vm15, v9, v3  }
0x47: {  	v54 =	vshra.s32 v51, $0x1F;
	v53 =	vxor.u32 v11, v45;
	v3 =	vsel vm11, v4, v3  }
0x48: {  	v5 =	vsel vm13, $0x4, v5;
	v4 =	vsel vm11, v9, v4;
	vm13 =	vgt.s32 v53, v3  }
0x49: {  	v55 =	vand.u32 v2, v54;
	vm1 =	vgt.s32 v53, v4;
	v3 =	vsel vm13, v53, v3  }
0x4a: {  	v57 =	vsel vm4, $0x4, v6;
	v9 =	vxor.u32 v55, v51;
	v3 =	vsel vm1, v4, v3  }
0x4b: {  	v56 =	vld [tilespmem:s0+$0xB80];
	v58 =	vshra.s32 v7, $0x1F;
	v4 =	vsel vm1, v53, v4;
	vm10 =	vgt.s32 v9, v3  }
0x4c: {  	v59 =	vand.u32 v2, v58;
	vm0 =	vgt.s32 v9, v4;
	v3 =	vsel vm10, v9, v3  }
0x4d: {  	v5 =	vsel vm4, v6, v5;
	v6 =	vxor.u32 v59, v7;
	v3 =	vsel vm0, v4, v3  }
0x4e: {  	v4 =	vsel vm0, v9, v4;
	vm6 =	vgt.s32 v6, v3  }
0x4f: {  	vm4 =	vgt.s32 v6, v4;
	v3 =	vsel vm6, v6, v3  }
0x50: {  	v7 =	vshra.s32 v56, $0x1F;
	v3 =	vsel vm4, v4, v3;
	v4 =	vsel vm4, v6, v4;
	v6 =	vld [tilespmem:$0x1FFB0]  }
0x51: {  	v7 =	vand.u32 v2, v7  }
0x52: {  	v7 =	vxor.u32 v7, v56  }
0x53: {  	v60 =	vsel vm5, $0x5, v57;
	v5 =	vsel vm8, $0x5, v5;
	vm8 =	vgt.s32 v7, v3  }
0x54: {  	v5 =	vsel vm5, v57, v5;
	vm5 =	vgt.s32 v7, v4;
	v3 =	vsel vm8, v7, v3  }
0x55: {  	v3 =	vsel vm5, v4, v3;
	vm12 =	vnez.u8 v6;
	v6 =	vsel vm5, v7, v4  }
0x56: {  	v61 =	vshra.s32 v3, $0x1F;
	v7 =	vshra.s32 v6, $0x1F  }
0x57: {  	v62 =	vand.u32 v2, v61;
	v7 =	vand.u32 v2, v7  }
0x58: {  	v63 =	vld [tilespmem:$0x1FFC0];
	[tilespmem:$0x1FFD0] =	vst v8;
	v3 =	vxor.u32 v62, v3;
	v6 =	vxor.u32 v7, v6  }
0x59: {  	v3 =	vsub.f32 v3, v6;
	v6 =	vld [tilespmem:$0x1FFD0];
	_ =	sdelay $0x2  }
0x5a: {  	v5 =	vsel vm12, $0x6, v5  }
0x5b: {  	vm12 =	vnez.u8 v63;
	v5 =	vsel vm2, v60, v5  }
0x5c: {  	v5 =	vsel vm12, $0x7, v5;
	vm12 =	vnez.u8 v6;
	v6 =	vld [tilespmem:$0x1FFE0];
	_ =	sdelay $0x1  }
0x5d: {  	v4 =	vsel vm2, $0x6, v60  }
0x5e: {  	v5 =	vsel vm3, v4, v5  }
0x5f: {  	v4 =	vsel vm3, $0x7, v4;
	v3 =	vmul.f32 $1.442695020e+00, v3;
	v5 =	vsel vm12, $0x8, v5  }
0x60: {  	v5 =	vsel vm7, v4, v5;
	v4 =	vsel vm7, $0x8, v4;
	vm7 =	vnez.u8 v6  }
0x61: {  	v5 =	vsel vm7, $0x9, v5  }
0x62: {  	(erf) = vpow2.f32 v3;
	v3 =	vsel vm9, $0x9, v4;
	v5 =	vsel vm9, v4, v5;
	v4 =	vld [tilespmem:$0x1FFF0];
	_ =	sdelay $0x4  }
0x63: {  	vm12 =	vnez.u8 v4  }
0x64: {  	v4 =	vsel vm12, $0xA, v5  }
0x65: {  	v4 =	vsel vm14, v3, v4  }
0x66: {  	v3 =	vsel vm14, $0xA, v3;
	v4 =	vsel vm15, $0xB, v4  }
0x67: {  	v4 =	vsel vm11, v3, v4  }
0x68: {  	v3 =	vsel vm11, $0xB, v3;
	v4 =	vsel vm13, $0xC, v4  }
0x69: {  	v4 =	vsel vm1, v3, v4  }
0x6a: {  	v3 =	vsel vm1, $0xC, v3;
	v4 =	vsel vm10, $0xD, v4  }
0x6b: {  	v4 =	vsel vm0, v3, v4  }
0x6c: {  	s26 =	simm.s32 $0x10;
	s21 =	simm.s32 $0x1210;
	s22 =	simm.s32 $0x1310;
	v5 =	vpop (erf);
	v3 =	vsel vm0, $0xD, v3;
	v4 =	vsel vm6, $0xE, v4  }
0x6d: {  	s24 =	simm.s32 $0x1010;
	s23 =	simm.s32 $0x1110;
	s28 =	simm.s32 $0x1000;
	v6 =	vadd.f32 $1.000000000e+00, v5;
	v4 =	vsel vm4, v3, v4  }
0x6e: {  	s31 =	simm.s32 $0x1100;
	s30 =	simm.s32 $0x1200;
	s29 =	simm.s32 $0x1300;
	v3 =	vsel vm4, $0xE, v3;
	v7 =	vsel vm8, $0xF, v4  }
0x6f: {  	s25 =	sand.u32 $0x70, s26;
	s2 =	simm.s32 $0x20;
	s26 =	simm.s32 $0x80;
	(erf) = vrcp.f32 v6;
	v4 =	vsel vm5, $0xF, v3;
	v3 =	vsel vm5, v3, v7  }
.LBB2_2:
0x70: {  	_ =	sdelay $0x7  }
0x71: {  	v6 =	vpop (erf)  }
0x72: {  	v5 =	vmul.f32 v6, v5  }
0x73: {  	[tilespmem:s28+$0x0] =	vst v6  }
0x74: {  	[tilespmem:s31+$0x0] =	vst v5  }
0x75: {  	s10 =	sand.u32 $0x400, s26;
	[tilespmem:s30+$0x0] =	vst v4  }
0x76: {  	s10 =	sor.u32 s25, s10;
	[tilespmem:s29+$0x0] =	vst v3  }
0x77: {  	v3 =	vld [tilespmem:s10+$0x0]  }
0x78: {  	v4 =	vld [tilespmem:s10+$0x80]  }
0x79: {  	v5 =	vld [tilespmem:s10+$0x180]  }
0x7a: {  	v6 =	vld [tilespmem:s10+$0x100]  }
0x7b: {  	v8 =	vld [tilespmem:s10+$0x200]  }
0x7c: {  	v13 =	vld [tilespmem:s10+$0x300]  }
0x7d: {  	v44 =	vld [tilespmem:s10+$0x380]  }
0x7e: {  	v15 =	vld [tilespmem:s10+$0x800]  }
0x7f: {  	v47 =	vld [tilespmem:s10+$0x880]  }
0x80: {  	v50 =	vld [tilespmem:s10+$0x900]  }
0x81: {  	v52 =	vld [tilespmem:s10+$0x980];
	v7 =	vshra.s32 v3, $0x1F;
	v9 =	vshra.s32 v4, $0x1F  }
0x82: {  	v58 =	vld [tilespmem:s10+$0xA80];
	v43 =	vshra.s32 v5, $0x1F;
	v12 =	vshra.s32 v8, $0x1F;
	v7 =	vand.u32 v2, v7  }
0x83: {  	v45 =	vshra.s32 v13, $0x1F;
	v46 =	vshra.s32 v44, $0x1F;
	v3 =	vxor.u32 v7, v3  }
0x84: {  	v48 =	vshra.s32 v15, $0x1F;
	v7 =	vand.u32 v2, v9;
	vm0 =	vgt.s32 v3, v1  }
0x85: {  	v51 =	vshra.s32 v47, $0x1F;
	v4 =	vxor.u32 v7, v4;
	v11 =	vsel vm0, v3, v1  }
0x86: {  	v53 =	vshra.s32 v50, $0x1F;
	v54 =	vshra.s32 v52, $0x1F;
	vm1 =	vle.s32 v4, v11  }
0x87: {  	v59 =	vld [tilespmem:s10+$0xB00];
	v60 =	vshra.s32 v58, $0x1F;
	v7 =	vshra.s32 v6, $0x1F;
	v3 =	vsel vm1, v4, v3  }
0x88: {  	v7 =	vand.u32 v2, v7;
	vm2 =	vgt.s32 v4, v1;
	vm15 =	vgt.s32 v3, v1  }
0x89: {  	vm0 =	vgt.s32 v4, v11;
	v6 =	vxor.u32 v7, v6;
	v3 =	vsel vm15, v3, v1  }
0x8a: {  	vm2 =	vmand vm1, vm2;
	v4 =	vsel vm0, v4, v11;
	vm1 =	vgt.s32 v6, v3  }
0x8b: {  	v10 =	vld [tilespmem:s10+$0x280];
	v9 =	vand.u32 v2, v43;
	vm6 =	vgt.s32 v6, v4;
	v3 =	vsel vm1, v6, v3  }
0x8c: {  	v62 =	vshra.s32 v59, $0x1F;
	v5 =	vxor.u32 v9, v5;
	v3 =	vsel vm6, v4, v3  }
0x8d: {  	v12 =	vand.u32 v2, v12;
	v4 =	vsel vm6, v6, v4;
	vm11 =	vgt.s32 v5, v3  }
0x8e: {  	v49 =	vand.u32 v2, v48;
	vm9 =	vgt.s32 v5, v4;
	v3 =	vsel vm11, v5, v3  }
0x8f: {  	v8 =	vxor.u32 v12, v8;
	v9 =	vand.u32 v2, v45;
	v3 =	vsel vm9, v4, v3  }
0x90: {  	v7 =	vshra.s32 v10, $0x1F;
	v4 =	vsel vm9, v5, v4;
	vm12 =	vgt.s32 v8, v3  }
0x91: {  	v7 =	vand.u32 v2, v7;
	vm13 =	vgt.s32 v8, v4;
	v3 =	vsel vm12, v8, v3  }
0x92: {  	v9 =	vxor.u32 v9, v13;
	v7 =	vxor.u32 v7, v10;
	v3 =	vsel vm13, v4, v3  }
0x93: {  	v14 =	vsel vm0, $0x1, v0;
	v4 =	vsel vm13, v8, v4;
	vm10 =	vgt.s32 v7, v3  }
0x94: {  	v6 =	vsel vm2, $0x1, v0;
	vm4 =	vgt.s32 v7, v4;
	v3 =	vsel vm10, v7, v3  }
0x95: {  	v16 =	vsel vm6, $0x2, v14;
	v6 =	vsel vm1, $0x2, v6;
	v3 =	vsel vm4, v4, v3  }
0x96: {  	v17 =	vsel vm9, $0x3, v16;
	v4 =	vsel vm4, v7, v4;
	vm7 =	vgt.s32 v9, v3  }
0x97: {  	v5 =	vand.u32 v2, v46;
	vm0 =	vgt.s32 v9, v4;
	v3 =	vsel vm7, v9, v3  }
0x98: {  	v6 =	vsel vm6, v14, v6;
	v5 =	vxor.u32 v5, v44;
	v3 =	vsel vm0, v4, v3  }
0x99: {  	v6 =	vsel vm11, $0x3, v6;
	v4 =	vsel vm0, v9, v4;
	vm1 =	vgt.s32 v5, v3  }
0x9a: {  	v6 =	vsel vm9, v16, v6;
	vm3 =	vgt.s32 v5, v4;
	v3 =	vsel vm1, v5, v3  }
0x9b: {  	v18 =	vsel vm13, $0x4, v17;
	v8 =	vxor.u32 v49, v15;
	v3 =	vsel vm3, v4, v3  }
0x9c: {  	v6 =	vsel vm12, $0x4, v6;
	v4 =	vsel vm3, v5, v4;
	vm5 =	vgt.s32 v8, v3  }
0x9d: {  	v7 =	vand.u32 v2, v51;
	vm2 =	vgt.s32 v8, v4;
	v3 =	vsel vm5, v8, v3  }
0x9e: {  	v7 =	vxor.u32 v7, v47;
	v5 =	vimm.s32 $0x0;
	v3 =	vsel vm2, v4, v3  }
0x9f: {  	v5 =	vsel vm5, $0xFFFFFFFF, v5;
	v4 =	vsel vm2, v8, v4;
	vm8 =	vgt.s32 v7, v3  }
0xa0: {  	v9 =	vand.u32 v2, v53;
	[tilespmem:$0x1FFA0] =	vst v5;
	v5 =	vld [tilespmem:s10+$0xA00];
	vm6 =	vgt.s32 v7, v4;
	v3 =	vsel vm8, v7, v3  }
0xa1: {  	v6 =	vsel vm13, v17, v6;
	v9 =	vxor.u32 v9, v50;
	v3 =	vsel vm6, v4, v3  }
0xa2: {  	v19 =	vsel vm4, $0x5, v18;
	v4 =	vsel vm6, v7, v4;
	vm14 =	vgt.s32 v9, v3  }
0xa3: {  	v7 =	vand.u32 v2, v54;
	vm11 =	vgt.s32 v9, v4;
	v3 =	vsel vm14, v9, v3  }
0xa4: {  	v6 =	vsel vm10, $0x5, v6;
	v7 =	vxor.u32 v7, v52;
	v3 =	vsel vm11, v4, v3  }
0xa5: {  	v57 =	vshra.s32 v5, $0x1F;
	v4 =	vsel vm11, v9, v4;
	vm12 =	vgt.s32 v7, v3  }
0xa6: {  	v10 =	vand.u32 v2, v57;
	vm9 =	vgt.s32 v7, v4;
	v3 =	vsel vm12, v7, v3  }
0xa7: {  	v6 =	vsel vm4, v18, v6;
	v5 =	vxor.u32 v10, v5;
	v3 =	vsel vm9, v4, v3  }
0xa8: {  	v61 =	vld [tilespmem:s10+$0xB80];
	v55 =	vsel vm0, $0x6, v19;
	v4 =	vsel vm9, v7, v4;
	vm13 =	vgt.s32 v5, v3  }
0xa9: {  	v7 =	vand.u32 v2, v60;
	vm10 =	vgt.s32 v5, v4;
	v3 =	vsel vm13, v5, v3  }
0xaa: {  	v6 =	vsel vm7, $0x6, v6;
	v7 =	vxor.u32 v7, v58;
	v3 =	vsel vm10, v4, v3  }
0xab: {  	v4 =	vsel vm10, v5, v4;
	v5 =	vand.u32 v2, v62;
	vm15 =	vgt.s32 v7, v3  }
0xac: {  	vm4 =	vgt.s32 v7, v4;
	v5 =	vxor.u32 v5, v59;
	v3 =	vsel vm15, v7, v3  }
0xad: {  	v3 =	vsel vm4, v4, v3;
	v4 =	vsel vm4, v7, v4;
	v7 =	vshra.s32 v61, $0x1F  }
0xae: {  	vm5 =	vgt.s32 v5, v3;
	vm7 =	vgt.s32 v5, v4;
	v7 =	vand.u32 v2, v7  }
0xaf: {  	v63 =	vld [tilespmem:$0x1FFA0];
	v3 =	vsel vm5, v5, v3;
	v5 =	vsel vm7, v5, v4;
	v7 =	vxor.u32 v7, v61  }
0xb0: {  	v6 =	vsel vm0, v19, v6;
	v3 =	vsel vm7, v4, v3;
	vm0 =	vgt.s32 v7, v5  }
0xb1: {  	v4 =	vsel vm1, $0x7, v6;
	vm1 =	vgt.s32 v7, v3;
	v6 =	vsel vm0, v7, v5  }
0xb2: {  	v56 =	vsel vm3, $0x7, v55;
	v3 =	vsel vm1, v7, v3;
	v7 =	vshra.s32 v6, $0x1F  }
0xb3: {  	v4 =	vsel vm3, v55, v4;
	v3 =	vsel vm0, v5, v3;
	v5 =	vand.u32 v2, v7  }
0xb4: {  	vm3 =	vnez.u8 v63;
	v5 =	vxor.u32 v5, v6;
	v6 =	vshra.s32 v3, $0x1F  }
0xb5: {  	v4 =	vsel vm3, $0x8, v4;
	v6 =	vand.u32 v2, v6  }
0xb6: {  	v4 =	vsel vm2, v56, v4;
	v3 =	vxor.u32 v6, v3  }
0xb7: {  	v7 =	vsel vm2, $0x8, v56;
	v4 =	vsel vm8, $0x9, v4;
	v3 =	vsub.f32 v3, v5  }
0xb8: {  	v4 =	vsel vm6, v7, v4  }
0xb9: {  	v6 =	vsel vm6, $0x9, v7;
	v4 =	vsel vm14, $0xA, v4;
	v3 =	vmul.f32 $1.442695020e+00, v3  }
0xba: {  	v4 =	vsel vm11, v6, v4  }
0xbb: {  	v5 =	vsel vm11, $0xA, v6;
	v4 =	vsel vm12, $0xB, v4;
	(erf) = vpow2.f32 v3  }
0xbc: {  	v4 =	vsel vm9, v5, v4  }
0xbd: {  	v5 =	vsel vm9, $0xB, v5;
	v4 =	vsel vm13, $0xC, v4  }
0xbe: {  	v3 =	vsel vm10, v5, v4  }
0xbf: {  	v4 =	vsel vm10, $0xC, v5;
	v3 =	vsel vm15, $0xD, v3  }
0xc0: {  	v3 =	vsel vm4, v4, v3;
	v4 =	vsel vm4, $0xD, v4  }
0xc1: {  	v3 =	vsel vm5, $0xE, v3;
	v5 =	vsel vm7, $0xE, v4  }
0xc2: {  	p0 =	sne.s32 s2, $0xF0;
	v3 =	vsel vm7, v4, v3  }
.Ltmp0:
0xc3: {  	s1 =	sand.u32 $0x70, s2;
	s0 =	smov.u32 s2;
	v3 =	vsel vm1, $0xF, v3;
	(pc) =	sbr.rel @p0 .LBB2_2-.Ltmp0, $4  }
0xc4: {  	s26 =	sadd.s32 $0x80, s26;
	s0 =	sadd.s32 $0x10, s2;
	s25 =	smov.u32 s1;
	v4 =	vsel vm0, $0xF, v5;
	v3 =	vsel vm0, v5, v3;
	v5 =	vpop (erf)  }
0xc5: {  	s2 =	smov.u32 s0;
	s28 =	smov.u32 s24;
	s24 =	sadd.s32 $0x10, s24;
	v6 =	vadd.f32 $1.000000000e+00, v5  }
0xc6: {  	s31 =	smov.u32 s23;
	s23 =	sadd.s32 $0x10, s23;
	s30 =	smov.u32 s21  }
0xc7: {  	s21 =	sadd.s32 $0x10, s21;
	s29 =	smov.u32 s22;
	s22 =	sadd.s32 $0x10, s22;
	(erf) = vrcp.f32 v6  }
0xc8: {  	_ =	sdelay $0x7  }
0xc9: {  	v6 =	vpop (erf)  }
0xca: {  	v5 =	vmul.f32 v6, v5  }
0xcb: {  	[tilespmem:s28+$0x0] =	vst v6  }
0xcc: {  	[tilespmem:s31+$0x0] =	vst v5  }
0xcd: {  	s0 =	sand.u32 $0x400, s26;
	[tilespmem:s30+$0x0] =	vst v4  }
0xce: {  	s0 =	sor.u32 s25, s0;
	[tilespmem:s29+$0x0] =	vst v3  }
0xcf: {  	v3 =	vld [tilespmem:s0+$0x0];
	_ =	sdelay $0x1  }
0xd0: {  	v55 =	vimm.s32 $0x0;
	v4 =	vld [tilespmem:s0+$0x80]  }
0xd1: {  	v10 =	vimm.s32 $0x0;
	v58 =	vimm.s32 $0x0;
	v11 =	vimm.s32 $0x0  }
0xd2: {  	v61 =	vimm.s32 $0x0;
	v12 =	vimm.s32 $0x0;
	v16 =	vimm.s32 $0x0  }
0xd3: {  	v19 =	vimm.s32 $0x0;
	v23 =	vimm.s32 $0x0;
	v6 =	vld [tilespmem:s0+$0x100];
	v53 =	vshra.s32 v3, $0x1F  }
0xd4: {  	v27 =	vimm.s32 $0x0;
	v31 =	vimm.s32 $0x0;
	v54 =	vld [tilespmem:s0+$0x180];
	v5 =	vand.u32 v2, v53  }
0xd5: {  	v34 =	vimm.s32 $0x0;
	v9 =	vld [tilespmem:s0+$0x200];
	v7 =	vshra.s32 v4, $0x1F;
	v5 =	vxor.u32 v5, v3  }
0xd6: {  	v38 =	vimm.s32 $0x0;
	v3 =	vand.u32 v2, v7;
	vm0 =	vgt.s32 v5, v1  }
0xd7: {  	v41 =	vimm.s32 $0x0;
	v3 =	vxor.u32 v3, v4;
	v8 =	vsel vm0, v5, v1  }
0xd8: {  	v45 =	vimm.s32 $0x0;
	v56 =	vshra.s32 v6, $0x1F;
	vm0 =	vle.s32 v3, v8  }
0xd9: {  	v59 =	vld [tilespmem:s0+$0x280];
	v57 =	vshra.s32 v54, $0x1F;
	v4 =	vsel vm0, $0xFFFFFFFF, v55;
	v5 =	vsel vm0, v3, v5  }
0xda: {  	v62 =	vld [tilespmem:s0+$0x300];
	v60 =	vshra.s32 v9, $0x1F;
	[tilespmem:$0x1FEA0] =	vst v4;
	v4 =	vand.u32 v2, v56;
	vm0 =	vgt.s32 v5, v1  }
0xdb: {  	vm1 =	vgt.s32 v3, v8;
	v5 =	vsel vm0, v5, v1;
	v4 =	vxor.u32 v4, v6  }
0xdc: {  	v14 =	vld [tilespmem:s0+$0x380];
	v10 =	vsel vm1, $0xFFFFFFFF, v10;
	v8 =	vsel vm1, v3, v8;
	vm0 =	vgt.s32 v4, v5  }
0xdd: {  	v6 =	vand.u32 v2, v57;
	vm1 =	vgt.s32 v4, v8;
	v5 =	vsel vm0, v4, v5  }
0xde: {  	v63 =	vshra.s32 v59, $0x1F;
	v6 =	vxor.u32 v6, v54;
	v5 =	vsel vm1, v8, v5  }
0xdf: {  	v15 =	vshra.s32 v62, $0x1F;
	v4 =	vsel vm1, v4, v8;
	vm11 =	vgt.s32 v6, v5  }
0xe0: {  	v7 =	vand.u32 v2, v60;
	vm12 =	vgt.s32 v6, v4;
	v5 =	vsel vm11, v6, v5  }
0xe1: {  	v18 =	vshra.s32 v14, $0x1F;
	v7 =	vxor.u32 v7, v9;
	v5 =	vsel vm12, v4, v5  }
0xe2: {  	v17 =	vld [tilespmem:s0+$0x800];
	v13 =	vand.u32 v2, v63;
	v4 =	vsel vm12, v6, v4;
	vm13 =	vgt.s32 v7, v5  }
0xe3: {  	[tilespmem:$0x1FEB0] =	vst v10;
	vm7 =	vgt.s32 v7, v4;
	v6 =	vsel vm13, $0xFFFFFFFF, v12;
	v5 =	vsel vm13, v7, v5  }
0xe4: {  	v10 =	vsel vm0, $0xFFFFFFFF, v58;
	[tilespmem:$0x1FEF0] =	vst v6;
	v5 =	vsel vm7, v4, v5;
	v6 =	vxor.u32 v13, v59  }
0xe5: {  	v21 =	vld [tilespmem:s0+$0x880];
	[tilespmem:$0x1FEC0] =	vst v10;
	v10 =	vand.u32 v2, v15;
	v4 =	vsel vm7, v7, v4;
	vm14 =	vgt.s32 v6, v5  }
0xe6: {  	v8 =	vsel vm11, $0xFFFFFFFF, v61;
	vm9 =	vgt.s32 v6, v4;
	v5 =	vsel vm14, v6, v5  }
0xe7: {  	v22 =	vshra.s32 v17, $0x1F;
	[tilespmem:$0x1FEE0] =	vst v8;
	v8 =	vxor.u32 v10, v62;
	v5 =	vsel vm9, v4, v5  }
0xe8: {  	v25 =	vld [tilespmem:s0+$0x900];
	v20 =	vand.u32 v2, v18;
	v4 =	vsel vm9, v6, v4;
	vm15 =	vgt.s32 v8, v5  }
0xe9: {  	vm11 =	vgt.s32 v8, v4;
	v6 =	vsel vm15, $0xFFFFFFFF, v19;
	v5 =	vsel vm15, v8, v5  }
0xea: {  	v26 =	vshra.s32 v21, $0x1F;
	[tilespmem:$0x1FF10] =	vst v6;
	v5 =	vsel vm11, v4, v5;
	v6 =	vxor.u32 v20, v14  }
0xeb: {  	v29 =	vld [tilespmem:s0+$0x980];
	v24 =	vand.u32 v2, v22;
	v4 =	vsel vm11, v8, v4;
	vm4 =	vgt.s32 v6, v5  }
0xec: {  	v7 =	vsel vm14, $0xFFFFFFFF, v16;
	vm13 =	vgt.s32 v6, v4;
	v5 =	vsel vm4, v6, v5  }
0xed: {  	v30 =	vshra.s32 v25, $0x1F;
	[tilespmem:$0x1FF00] =	vst v7;
	v7 =	vxor.u32 v24, v17;
	v5 =	vsel vm13, v4, v5  }
0xee: {  	v32 =	vld [tilespmem:s0+$0xA00];
	v28 =	vand.u32 v2, v26;
	v4 =	vsel vm13, v6, v4;
	vm5 =	vgt.s32 v7, v5  }
0xef: {  	vm15 =	vgt.s32 v7, v4;
	v6 =	vsel vm5, $0xFFFFFFFF, v27;
	v5 =	vsel vm5, v7, v5  }
0xf0: {  	v33 =	vshra.s32 v29, $0x1F;
	[tilespmem:$0x1FF30] =	vst v6;
	v5 =	vsel vm15, v4, v5;
	v6 =	vxor.u32 v28, v21  }
0xf1: {  	v36 =	vld [tilespmem:s0+$0xA80];
	v10 =	vand.u32 v2, v30;
	v4 =	vsel vm15, v7, v4;
	vm6 =	vgt.s32 v6, v5  }
0xf2: {  	v7 =	vsel vm6, $0xFFFFFFFF, v31;
	v5 =	vsel vm6, v6, v5;
	vm6 =	vgt.s32 v6, v4  }
0xf3: {  	v37 =	vshra.s32 v32, $0x1F;
	v9 =	vxor.u32 v10, v25;
	v5 =	vsel vm6, v4, v5  }
0xf4: {  	v39 =	vld [tilespmem:s0+$0xB00];
	v35 =	vand.u32 v2, v33;
	v4 =	vsel vm6, v6, v4;
	vm8 =	vgt.s32 v9, v5  }
0xf5: {  	vm5 =	vgt.s32 v9, v4;
	v6 =	vsel vm8, $0xFFFFFFFF, v34;
	v5 =	vsel vm8, v9, v5  }
0xf6: {  	v40 =	vshra.s32 v36, $0x1F;
	[tilespmem:$0x1FF50] =	vst v6;
	v6 =	vxor.u32 v35, v29;
	v5 =	vsel vm5, v4, v5  }
0xf7: {  	v43 =	vld [tilespmem:s0+$0xB80];
	v8 =	vsel vm4, $0xFFFFFFFF, v23;
	v4 =	vsel vm5, v9, v4;
	vm10 =	vgt.s32 v6, v5  }
0xf8: {  	[tilespmem:$0x1FF20] =	vst v8;
	v8 =	vand.u32 v2, v37;
	vm4 =	vgt.s32 v6, v4;
	v5 =	vsel vm10, v6, v5  }
0xf9: {  	v44 =	vshra.s32 v39, $0x1F;
	[tilespmem:$0x1FF40] =	vst v7;
	v7 =	vxor.u32 v8, v32;
	v5 =	vsel vm4, v4, v5  }
0xfa: {  	v42 =	vand.u32 v2, v40;
	v4 =	vsel vm4, v6, v4;
	vm14 =	vgt.s32 v7, v5  }
0xfb: {  	vm3 =	vgt.s32 v7, v4;
	v6 =	vsel vm14, $0xFFFFFFFF, v41;
	v5 =	vsel vm14, v7, v5  }
0xfc: {  	v47 =	vshra.s32 v43, $0x1F;
	[tilespmem:$0x1FF70] =	vst v6;
	v6 =	vxor.u32 v42, v36;
	v5 =	vsel vm3, v4, v5  }
0xfd: {  	v46 =	vand.u32 v2, v44;
	v4 =	vsel vm3, v7, v4;
	vm8 =	vgt.s32 v6, v5  }
0xfe: {  	vm2 =	vgt.s32 v6, v4;
	v7 =	vsel vm8, $0xFFFFFFFF, v45;
	v5 =	vsel vm8, v6, v5  }
0xff: {  	v11 =	vsel vm1, $0xFFFFFFFF, v11;
	[tilespmem:$0x1FF80] =	vst v7;
	v7 =	vxor.u32 v46, v39;
	v5 =	vsel vm2, v4, v5  }
0x100: {  	v9 =	vsel vm10, $0xFFFFFFFF, v38;
	v4 =	vsel vm2, v6, v4;
	vm10 =	vgt.s32 v7, v5  }
0x101: {  	v6 =	vand.u32 v2, v47;
	vm1 =	vgt.s32 v7, v4;
	v5 =	vsel vm10, v7, v5  }
0x102: {  	vm14 =	vgt.s32 v3, v1;
	v1 =	vld [tilespmem:$0x1FEA0];
	v6 =	vxor.u32 v6, v43;
	v5 =	vsel vm1, v4, v5  }
0x103: {  	v4 =	vsel vm1, v7, v4;
	vm8 =	vgt.s32 v6, v5  }
0x104: {  	v3 =	vld [tilespmem:$0x1FEB0];
	vm0 =	vgt.s32 v6, v4;
	v5 =	vsel vm8, v6, v5  }
0x105: {  	v48 =	vimm.s32 $0x0;
	[tilespmem:$0x1FED0] =	vst v11;
	v51 =	vld [tilespmem:$0x1FEC0];
	v6 =	vsel vm0, v6, v4;
	v4 =	vsel vm0, v4, v5  }
0x106: {  	v52 =	vld [tilespmem:$0x1FED0];
	[tilespmem:$0x1FF60] =	vst v9;
	v9 =	vsel vm10, $0xFFFFFFFF, v48;
	v49 =	vshra.s32 v6, $0x1F;
	v50 =	vshra.s32 v4, $0x1F  }
0x107: {  	v53 =	vld [tilespmem:$0x1FEE0];
	vm10 =	vnez.u8 v1;
	v5 =	vand.u32 v2, v49;
	v2 =	vand.u32 v2, v50  }
0x108: {  	vm14 =	vmand vm10, vm14;
	v5 =	vxor.u32 v5, v6;
	v2 =	vxor.u32 v2, v4  }
0x109: {  	v1 =	vsub.f32 v2, v5;
	v2 =	vsel vm14, $0x1, v0;
	vm14 =	vnez.u8 v3  }
0x10a: {  	v3 =	vsel vm14, $0x1, v0;
	vm14 =	vnez.u8 v51  }
0x10b: {  	v2 =	vsel vm14, $0x2, v2;
	v1 =	vmul.f32 $1.442695020e+00, v1;
	vm14 =	vnez.u8 v52  }
0x10c: {  	v2 =	vsel vm14, v3, v2;
	v3 =	vsel vm14, $0x2, v3;
	vm14 =	vnez.u8 v53  }
0x10d: {  	v2 =	vsel vm14, $0x3, v2  }
0x10e: {  	(erf) = vpow2.f32 v1;
	v1 =	vsel vm12, v3, v2;
	v2 =	vsel vm12, $0x3, v3;
	v3 =	vld [tilespmem:$0x1FEF0];
	_ =	sdelay $0x4  }
0x10f: {  	vm14 =	vnez.u8 v3;
	v3 =	vld [tilespmem:$0x1FF00];
	_ =	sdelay $0x4  }
0x110: {  	vm10 =	vnez.u8 v3;
	v3 =	vld [tilespmem:$0x1FF10];
	_ =	sdelay $0x4  }
0x111: {  	v1 =	vsel vm14, $0x4, v1;
	vm12 =	vnez.u8 v3;
	v3 =	vld [tilespmem:$0x1FF20]  }
0x112: {  	v1 =	vsel vm7, v2, v1  }
0x113: {  	v54 =	vld [tilespmem:$0x1FF30];
	v2 =	vsel vm7, $0x4, v2;
	v1 =	vsel vm10, $0x5, v1  }
0x114: {  	v1 =	vsel vm9, v2, v1  }
0x115: {  	v56 =	vld [tilespmem:$0x1FF40];
	v2 =	vsel vm9, $0x5, v2;
	v1 =	vsel vm12, $0x6, v1  }
0x116: {  	v1 =	vsel vm11, v2, v1;
	vm14 =	vnez.u8 v3  }
0x117: {  	v57 =	vld [tilespmem:$0x1FF50];
	v2 =	vsel vm11, $0x6, v2;
	v1 =	vsel vm14, $0x7, v1  }
0x118: {  	vm9 =	vnez.u8 v54;
	v3 =	vpop (erf);
	v1 =	vsel vm13, v2, v1  }
0x119: {  	v58 =	vld [tilespmem:$0x1FF60];
	v55 =	vadd.f32 $1.000000000e+00, v3;
	v2 =	vsel vm13, $0x7, v2;
	v1 =	vsel vm9, $0x8, v1  }
0x11a: {  	vm10 =	vnez.u8 v56;
	v1 =	vsel vm15, v2, v1  }
0x11b: {  	v59 =	vld [tilespmem:$0x1FF70];
	(erf) = vrcp.f32 v55;
	v2 =	vsel vm15, $0x8, v2;
	v1 =	vsel vm10, $0x9, v1  }
0x11c: {  	vm11 =	vnez.u8 v57;
	v1 =	vsel vm6, v2, v1  }
0x11d: {  	v60 =	vld [tilespmem:$0x1FF80];
	v2 =	vsel vm6, $0x9, v2;
	v1 =	vsel vm11, $0xA, v1  }
0x11e: {  	[tilespmem:$0x1FF90] =	vst v9;
	vm12 =	vnez.u8 v58;
	v1 =	vsel vm5, v2, v1  }
0x11f: {  	v62 =	vld [tilespmem:$0x1FF90];
	v2 =	vsel vm5, $0xA, v2;
	v1 =	vsel vm12, $0xB, v1  }
0x120: {  	vm13 =	vnez.u8 v59;
	v1 =	vsel vm4, v2, v1  }
0x121: {  	v2 =	vsel vm4, $0xB, v2;
	v1 =	vsel vm13, $0xC, v1  }
0x122: {  	vm14 =	vnez.u8 v60;
	v1 =	vsel vm3, v2, v1  }
0x123: {  	v2 =	vsel vm3, $0xC, v2;
	v1 =	vsel vm14, $0xD, v1  }
0x124: {  	vm15 =	vnez.u8 v62;
	v61 =	vpop (erf);
	v1 =	vsel vm2, v2, v1  }
0x125: {  	v3 =	vmul.f32 v61, v3;
	v2 =	vsel vm2, $0xD, v2;
	v1 =	vsel vm15, $0xE, v1  }
0x126: {  	[tilespmem:s24+$0x0] =	vst v61;
	v1 =	vsel vm1, v2, v1;
	v2 =	vsel vm1, $0xE, v2  }
0x127: {  	[tilespmem:s23+$0x0] =	vst v3;
	v1 =	vsel vm8, $0xF, v1;
	v63 =	vsel vm0, $0xF, v2  }
0x128: {  	v1 =	vsel vm0, v2, v1;
	[tilespmem:s21+$0x0] =	vst v63  }
0x129: {  	[tilespmem:s22+$0x0] =	vst v1  }
0x12a: {  	[hbm4b:s5+s14] =	stream.strided.scatter [tilespmem:s16], [sflag:$0x1], $0x100, s15, s14, $0x38;
	[tilespmem:$0x1480] =	vst v63  }
0x12b: {  	_ =	swait.ge [sflag:s11], $0x100  }
0x12c: {  	[sflag:s11] =	ssyncset.done $0x0  }
0x12d: {  	[sflag:s11] =	ssyncadd.s32 $0xFFFFFF00  }
0x12e: {  	[hbm4b:s6+s14] =	stream.strided.scatter [tilespmem:s17], [sflag:$0x1], $0x100, s15, s14, $0x38;
	[tilespmem:$0x1480] =	vst v63  }
0x12f: {  	_ =	swait.ge [sflag:s11], $0x100  }
0x130: {  	[sflag:s11] =	ssyncset.done $0x0  }
0x131: {  	[sflag:s11] =	ssyncadd.s32 $0xFFFFFF00  }
0x132: {  	[hbm4b:s7+s14] =	stream.strided.scatter [tilespmem:s18], [sflag:$0x1], $0x100, s15, s14, $0x38;
	[tilespmem:$0x1480] =	vst v63  }
0x133: {  	s20 =	sadd.s32 $0x1, s20;
	_ =	swait.ge [sflag:s11], $0x100  }
0x134: {  	p0 =	sne.s32 s20, s9;
	[sflag:s11] =	ssyncset.done $0x0  }
.Ltmp1:
0x135: {  	[sflag:s11] =	ssyncadd.s32 $0xFFFFFF00;
	(pc) =	sbr.rel @p0 .LBB2_1-.Ltmp1, $4  }
0x136: {  	[hbm4b:s8+s14] =	stream.strided.scatter [tilespmem:s19], [sflag:$0x1], $0x100, s15, s14, $0x38;
	[tilespmem:$0x1480] =	vst v63  }
0x137: {  	_ =	swait.ge [sflag:s11], $0x100  }
0x138: {  	[sflag:s11] =	ssyncset.done $0x0  }
0x139: {  	[sflag:s11] =	ssyncadd.s32 $0xFFFFFF00  }
0x13a: {  	_ =	sfence.sel $0x180000  }
0x13b: {  	[bflag:$0x0] =	sbarrier.arrive $0xFFFF  }
0x13c: {  	_ =	strace $0x90000047  }
0x13d: {  	s0 =	stileid.u32;
	[bflag:$0x2] =	sbarrier.arrive $0xFFFF  }
0x13e: {  	p0 =	sne.s32 s0, $0x0;
	s0 =	rddreg [dreg:$0x4]  }
0x13f: {  	s0 =	sadd.s32 @!p0 $0x100000, s0  }
0x140: {  	[sflag:s0] =	ssyncadd.tile.s32 @!p0 $0x1;
	_ =	shalt  }
.Lfunc_end2:
_tile_overlayer_lowered:
.L_overlay_start_2:
0x141: {  	(tag) =	ssettag $0x2  }
0x142: {  	s0 =	rddreg [dreg:$0x0];
	s2 =	stileid.u32  }
0x143: {  	s1 =	rddreg [dreg:$0x1];
	p0 =	sne.s32 s2, $0x0  }
0x144: {  	s3 =	rddreg [dreg:$0x2];
	[bflag:$0x3] =	sbarrier.arrive $0xFFFF;
	s2 =	simm.s32 @!p0 $0x1C01  }
0x145: {  	[timem:s3], [sflag:s2] =	dma.local @!p0 [hbm:s0], s1  }
0x146: {  	s0 =	simm.s32 @!p0 $0x1  }
0x147: {  	_ =	swait.ge @!p0 [sflag:s0], s1  }
0x148: {  	s1 =	ssub.s32 @!p0 $0x0, s1;
	[sflag:s0] =	ssyncset.done @!p0 $0x0  }
0x149: {  	[sflag:s0] =	ssyncadd.s32 @!p0 s1  }
0x14a: {  	[bflag:$0x3] =	sbarrier.arrive $0xFFFF  }
0x14b: {  	_ =	shalt  }

</sc_bundles>
